<compile_context>
chip_gen: v7x
topology: tpu7x:2x2x1
jax: 0.10.2.dev20260603
libtpu: 0.0.44.dev20260713+nightly
codegen_flags: <defaults>
</compile_context>

<pallas_src>
import jax
import jax.numpy as jnp
from jax import lax
from jax.experimental import pallas as pl
from jax.experimental.pallas import tpu as pltpu
from jax.experimental.pallas import tpu_sc as plsc

L = 2048
H = 16
T = 2 * L - 1
W = 3968
PW = 2944
NG = 16
GM = 8


def _body(c3_hbm, out_hbm, p0_v, p1_v, sem_i0, sem_i1, sem_o):
    nc = 2
    c = lax.axis_index("c")
    s = lax.axis_index("s")
    wid = s * nc + c
    h = wid // nc
    half = wid % nc
    bi0 = half * (L // 2 // 8)
    xb = (1 - half) * 1024

    planes = (p0_v, p1_v)
    sems_i = (sem_i0, sem_i1)

    def load_plane(g, p):
        g = lax.rem(g, NG)
        pltpu.async_copy(
            c3_hbm.at[
                h,
                pl.ds(pl.multiple_of(8 * g, 8), 8),
                pl.ds(pl.multiple_of(xb, 128), PW),
            ],
            planes[p],
            sems_i[p],
        )

    def fire_group(g, p):
        for m in range(GM):
            bi = bi0 + g + NG * m
            pltpu.async_copy(
                planes[p].at[:, pl.ds(896 - 128 * m, L)],
                out_hbm.at[0, h, pl.ds(pl.multiple_of(8 * bi, 8), 8), :],
                sem_o,
            )

    def drain_group(p):
        for _m in range(GM):
            pltpu.make_async_copy(
                planes[p].at[:, pl.ds(0, L)],
                out_hbm.at[0, 0, pl.ds(0, 8), :],
                sem_o,
            ).wait()

    load_plane(0, 0)
    load_plane(1, 1)

    def step(gg, _):
        for p in range(2):
            g = 2 * gg + p
            pltpu.make_async_copy(c3_hbm.at[0, pl.ds(0, 8), pl.ds(0, PW)],
                                  planes[p], sems_i[p]).wait()
            fire_group(g, p)
            drain_group(p)
            load_plane(g + 2, p)
        return _

    lax.fori_loop(0, NG // 2, step, None)
    for p in range(2):
        pltpu.make_async_copy(c3_hbm.at[0, pl.ds(0, 8), pl.ds(0, PW)],
                              planes[p], sems_i[p]).wait()


def _tc_build(a_ref, c3_ref):
    g = pl.program_id(0)
    rolled = pltpu.roll(a_ref[...], 8 * g - 120, axis=1)
    c3_ref[...] = rolled[:, :W].reshape(H, 8, W)


@jax.jit
def _run(rel_bias):
    rcp_t = jnp.pad(rel_bias[::-1].T, ((0, 0), (0, 9)))
    slab = jnp.stack(
        [rcp_t[:, 7 - r : 7 - r + 4096] for r in range(8)], axis=1
    ).reshape(128, 4096)
    c3 = pl.pallas_call(
        _tc_build,
        grid=(NG,),
        in_specs=[pl.BlockSpec((128, 4096), lambda g: (0, 0))],
        out_specs=pl.BlockSpec((H, 8, W), lambda g: (0, g, 0)),
        out_shape=jax.ShapeDtypeStruct((H, 128, W), jnp.float32),
    )(slab)
    k = pl.kernel(
        _body,
        mesh=plsc.VectorSubcoreMesh(core_axis_name="c", subcore_axis_name="s"),
        out_type=jax.ShapeDtypeStruct((1, H, L, L), jnp.float32),
        scratch_types=[
            pltpu.VMEM((8, PW), jnp.float32),
            pltpu.VMEM((8, PW), jnp.float32),
            pltpu.SemaphoreType.DMA,
            pltpu.SemaphoreType.DMA,
            pltpu.SemaphoreType.DMA,
        ],
    )
    return k(c3)


def kernel(rel_bias):
    return _run(rel_bias)

# --- scband reference (transcript-rebuilt; emitter-appended) ---
"""Pipeline reference for scband-relative-position-embedding-13975823582172 (READ-ONLY COPY).

The authoritative reference and input builder live on the scoring server;
editing this copy changes nothing except your own understanding.
"""

import jax, jax.numpy as jnp
import numpy as np

MAX_DISTANCE = 2048
NUM_HEADS = 16

def setup_inputs(seed: int = 0) -> dict:
    key = jax.random.key(seed)
    rel_bias = jax.random.normal(key, (2 * MAX_DISTANCE - 1, NUM_HEADS), dtype=jnp.float32) * 0.02
    return {"rel_bias": rel_bias}

def reference(rel_bias):
    pos_indices = jnp.arange(MAX_DISTANCE)
    distance_mat = pos_indices[:, None] - pos_indices[None, :]
    distance_mat_clipped = jnp.clip(distance_mat + MAX_DISTANCE - 1, 0, 2 * MAX_DISTANCE - 2)
    rel_pos_bias = jnp.take(rel_bias, distance_mat_clipped, axis=0)  # [L, L, H]
    rel_pos_bias = jnp.transpose(rel_pos_bias, (2, 0, 1))  # [H, L, L]
    rel_pos_bias = jnp.expand_dims(rel_pos_bias, axis=0)  # [1, H, L, L]
    return rel_pos_bias

if __name__ == "__main__":
    import jax
    _d = setup_inputs()
    print(jax.jit(kernel)(*tuple(_d.values())))

</pallas_src>

<mosaic_0001>
#map = affine_map<(d0, d1) -> (0, 0, 0)>
#map1 = affine_map<(d0, d1) -> (0, 0, 0, 0)>
module attributes {stable_mosaic.version = 14 : i64} {
  func.func @_body(%arg0: i32, %arg1: i32, %arg2: memref<16x128x3968xf32, #tpu.memory_space<hbm>>, %arg3: memref<1x16x2048x2048xf32, #tpu.memory_space<hbm>>, %arg4: memref<8x2944xf32, #tpu.memory_space<vmem>>, %arg5: memref<8x2944xf32, #tpu.memory_space<vmem>>, %arg6: memref<!tpu.dma_semaphore, #tpu.memory_space<semaphore_mem>>, %arg7: memref<!tpu.dma_semaphore, #tpu.memory_space<semaphore_mem>>, %arg8: memref<!tpu.dma_semaphore, #tpu.memory_space<semaphore_mem>>) attributes {dimension_semantics = [#tpu.dimension_semantics<core_parallel>, #tpu.dimension_semantics<subcore_parallel>], iteration_bounds = array<i64: 2, 16>, scalar_prefetch = 0 : i64, scratch_operands = 5 : i64, tpu.core_type = #tpu.core_type<sc_vector_subcore>, window_params = [{transform_indices = #map}, {transform_indices = #map1}]} {
    %mul3A = arith.constant 2 : i32
    %mul3A_0 = arith.muli %arg1, %mul3A : i32
    %add3A = arith.addi %mul3A_0, %arg0 : i32
    %jit3A = arith.constant 2 : i32
    %div3A = arith.divsi %add3A, %jit3A : i32
    %sign3A = arith.constant 0 : i32
    %sign3A_1 = arith.cmpi sgt, %add3A, %sign3A : i32
    %sign3A_2 = arith.extui %sign3A_1 : i1 to i32
    %sign3A_3 = arith.constant 0 : i32
    %sign3A_4 = arith.cmpi slt, %add3A, %sign3A_3 : i32
    %sign3A_5 = arith.extui %sign3A_4 : i1 to i32
    %sign3A_6 = arith.subi %sign3A_2, %sign3A_5 : i32
    %sign3A_7 = arith.constant 0 : i32
    %sign3A_8 = arith.cmpi sgt, %jit3A, %sign3A_7 : i32
    %sign3A_9 = arith.extui %sign3A_8 : i1 to i32
    %sign3A_10 = arith.constant 0 : i32
    %sign3A_11 = arith.cmpi slt, %jit3A, %sign3A_10 : i32
    %sign3A_12 = arith.extui %sign3A_11 : i1 to i32
    %sign3A_13 = arith.subi %sign3A_9, %sign3A_12 : i32
    %ne3A = arith.cmpi ne, %sign3A_6, %sign3A_13 : i32
    %rem3A = arith.remsi %add3A, %jit3A : i32
    %ne3A_14 = arith.constant 0 : i32
    %ne3A_15 = arith.cmpi ne, %rem3A, %ne3A_14 : i32
    %and3A = arith.andi %ne3A, %ne3A_15 : i1
    %sub3A = arith.constant 1 : i32
    %sub3A_16 = arith.subi %div3A, %sub3A : i32
    %select_n3A = arith.select %and3A, %sub3A_16, %div3A : i32
    %jit3A_17 = arith.constant 2 : i32
    %eq3A = arith.constant 0 : i32
    %eq3A_18 = arith.cmpi eq, %jit3A_17, %eq3A : i32
    %jit3A_19 = arith.constant 1 : i32
    %select_n3A_20 = arith.select %eq3A_18, %jit3A_19, %jit3A_17 : i32
    %rem3A_21 = arith.remsi %add3A, %select_n3A_20 : i32
    %ne3A_22 = arith.constant 0 : i32
    %ne3A_23 = arith.cmpi ne, %rem3A_21, %ne3A_22 : i32
    %lt3A = arith.constant 0 : i32
    %lt3A_24 = arith.cmpi slt, %rem3A_21, %lt3A : i32
    %lt3A_25 = arith.constant 0 : i32
    %lt3A_26 = arith.cmpi slt, %select_n3A_20, %lt3A_25 : i32
    %ne3A_27 = arith.xori %lt3A_24, %lt3A_26 : i1
    %and3A_28 = arith.andi %ne3A_27, %ne3A_23 : i1
    %add3A_29 = arith.addi %rem3A_21, %select_n3A_20 : i32
    %select_n3A_30 = arith.select %and3A_28, %add3A_29, %rem3A_21 : i32
    %mul3A_31 = arith.constant 128 : i32
    %mul3A_32 = arith.muli %select_n3A_30, %mul3A_31 : i32
    %sub3A_33 = arith.constant 1 : i32
    %sub3A_34 = arith.subi %sub3A_33, %select_n3A_30 : i32
    %mul3A_35 = arith.constant 1024 : i32
    %mul3A_36 = arith.muli %sub3A_34, %mul3A_35 : i32
    %rem3A_37 = arith.constant 0 : i32
    %rem3A_38 = arith.constant 16 : i32
    %rem3A_39 = arith.remsi %rem3A_37, %rem3A_38 : i32
    %mul3A_40 = arith.constant 8 : i32
    %mul3A_41 = arith.muli %mul3A_40, %rem3A_39 : i32
    %multiple_of3A = tpu.assume_multiple %mul3A_41, 8 : i32
    %multiple_of3A_42 = tpu.assume_multiple %mul3A_36, 128 : i32
    %dma_start3A = tpu.memref_slice %arg2[%select_n3A, %multiple_of3A, %multiple_of3A_42] : memref<16x128x3968xf32, #tpu.memory_space<hbm>> -> memref<1x8x2944xf32, #tpu.memory_space<hbm>>
    %dma_start3A_43 = tpu.memref_squeeze %dma_start3A : memref<1x8x2944xf32, #tpu.memory_space<hbm>> -> memref<8x2944xf32, #tpu.memory_space<hbm>>
    %dma_start3A_44 = tpu.memref_slice %arg2[%select_n3A, %multiple_of3A, %multiple_of3A_42] : memref<16x128x3968xf32, #tpu.memory_space<hbm>> -> memref<1x8x2944xf32, #tpu.memory_space<hbm>>
    %dma_start3A_45 = tpu.memref_squeeze %dma_start3A_44 : memref<1x8x2944xf32, #tpu.memory_space<hbm>> -> memref<8x2944xf32, #tpu.memory_space<hbm>>
    tpu.enqueue_dma source(%dma_start3A_45 : memref<8x2944xf32, #tpu.memory_space<hbm>>) target(%arg4 : memref<8x2944xf32, #tpu.memory_space<vmem>>) target_semaphore(%arg6 : memref<!tpu.dma_semaphore, #tpu.memory_space<semaphore_mem>>)
    %rem3A_46 = arith.constant 1 : i32
    %rem3A_47 = arith.constant 16 : i32
    %rem3A_48 = arith.remsi %rem3A_46, %rem3A_47 : i32
    %mul3A_49 = arith.constant 8 : i32
    %mul3A_50 = arith.muli %mul3A_49, %rem3A_48 : i32
    %multiple_of3A_51 = tpu.assume_multiple %mul3A_50, 8 : i32
    %multiple_of3A_52 = tpu.assume_multiple %mul3A_36, 128 : i32
    %dma_start3A_53 = tpu.memref_slice %arg2[%select_n3A, %multiple_of3A_51, %multiple_of3A_52] : memref<16x128x3968xf32, #tpu.memory_space<hbm>> -> memref<1x8x2944xf32, #tpu.memory_space<hbm>>
    %dma_start3A_54 = tpu.memref_squeeze %dma_start3A_53 : memref<1x8x2944xf32, #tpu.memory_space<hbm>> -> memref<8x2944xf32, #tpu.memory_space<hbm>>
    %dma_start3A_55 = tpu.memref_slice %arg2[%select_n3A, %multiple_of3A_51, %multiple_of3A_52] : memref<16x128x3968xf32, #tpu.memory_space<hbm>> -> memref<1x8x2944xf32, #tpu.memory_space<hbm>>
    %dma_start3A_56 = tpu.memref_squeeze %dma_start3A_55 : memref<1x8x2944xf32, #tpu.memory_space<hbm>> -> memref<8x2944xf32, #tpu.memory_space<hbm>>
    tpu.enqueue_dma source(%dma_start3A_56 : memref<8x2944xf32, #tpu.memory_space<hbm>>) target(%arg5 : memref<8x2944xf32, #tpu.memory_space<vmem>>) target_semaphore(%arg7 : memref<!tpu.dma_semaphore, #tpu.memory_space<semaphore_mem>>)
    %scan3A = arith.constant 0 : i32
    %scan3A_57 = arith.constant 8 : i32
    %scan3A_58 = arith.addi %scan3A, %scan3A_57 : i32
    %scan3A_59 = arith.constant 1 : i32
    scf.for %scan3A_78 = %scan3A to %scan3A_58 step %scan3A_59  : i32 {
      %mul3A_79 = arith.constant 2 : i32
      %mul3A_80 = arith.muli %mul3A_79, %scan3A_78 : i32
      %add3A_81 = arith.constant 0 : i32
      %add3A_82 = arith.addi %mul3A_80, %add3A_81 : i32
      %dma_wait3A_83 = arith.constant 0 : i32
      %dma_wait3A_84 = arith.constant 0 : i32
      %dma_wait3A_85 = arith.constant 0 : i32
      %dma_wait3A_86 = tpu.memref_slice %arg2[%dma_wait3A_83, %dma_wait3A_84, %dma_wait3A_85] : memref<16x128x3968xf32, #tpu.memory_space<hbm>> -> memref<1x8x2944xf32, #tpu.memory_space<hbm>>
      %dma_wait3A_87 = tpu.memref_squeeze %dma_wait3A_86 : memref<1x8x2944xf32, #tpu.memory_space<hbm>> -> memref<8x2944xf32, #tpu.memory_space<hbm>>
      %dma_wait3A_88 = arith.constant 0 : i32
      %dma_wait3A_89 = arith.constant 0 : i32
      %dma_wait3A_90 = tpu.memref_slice %arg2[%dma_wait3A_83, %dma_wait3A_88, %dma_wait3A_89] : memref<16x128x3968xf32, #tpu.memory_space<hbm>> -> memref<1x8x2944xf32, #tpu.memory_space<hbm>>
      %dma_wait3A_91 = tpu.memref_squeeze %dma_wait3A_90 : memref<1x8x2944xf32, #tpu.memory_space<hbm>> -> memref<8x2944xf32, #tpu.memory_space<hbm>>
      tpu.wait_dma2 semaphore(%arg6 : memref<!tpu.dma_semaphore, #tpu.memory_space<semaphore_mem>>) src(%dma_wait3A_91 : memref<8x2944xf32, #tpu.memory_space<hbm>>) dst(%arg4 : memref<8x2944xf32, #tpu.memory_space<vmem>>)
      %add3A_92 = arith.addi %mul3A_32, %add3A_82 : i32
      %add3A_93 = arith.constant 0 : i32
      %add3A_94 = arith.addi %add3A_92, %add3A_93 : i32
      %mul3A_95 = arith.constant 8 : i32
      %mul3A_96 = arith.muli %mul3A_95, %add3A_94 : i32
      %multiple_of3A_97 = tpu.assume_multiple %mul3A_96, 8 : i32
      %dma_start3A_98 = arith.constant 0 : i32
      %dma_start3A_99 = arith.constant 0 : i32
      %dma_start3A_100 = arith.constant 896 : i32
      %dma_start3A_101 = tpu.memref_slice %arg4[%dma_start3A_99, %dma_start3A_100] : memref<8x2944xf32, #tpu.memory_space<vmem>> -> memref<8x2048xf32, #tpu.memory_space<vmem>>
      %dma_start3A_102 = arith.constant 0 : i32
      %dma_start3A_103 = tpu.memref_slice %arg3[%dma_start3A_98, %select_n3A, %multiple_of3A_97, %dma_start3A_102] : memref<1x16x2048x2048xf32, #tpu.memory_space<hbm>> -> memref<1x1x8x2048xf32, #tpu.memory_space<hbm>>
      %dma_start3A_104 = tpu.memref_squeeze %dma_start3A_103 : memref<1x1x8x2048xf32, #tpu.memory_space<hbm>> -> memref<8x2048xf32, #tpu.memory_space<hbm>>
      %dma_start3A_105 = arith.constant 0 : i32
      %dma_start3A_106 = tpu.memref_slice %arg3[%dma_start3A_98, %select_n3A, %multiple_of3A_97, %dma_start3A_105] : memref<1x16x2048x2048xf32, #tpu.memory_space<hbm>> -> memref<1x1x8x2048xf32, #tpu.memory_space<hbm>>
      %dma_start3A_107 = tpu.memref_squeeze %dma_start3A_106 : memref<1x1x8x2048xf32, #tpu.memory_space<hbm>> -> memref<8x2048xf32, #tpu.memory_space<hbm>>
      %dma_start3A_108 = arith.constant 0 : i32
      %dma_start3A_109 = arith.constant 896 : i32
      %dma_start3A_110 = tpu.memref_slice %arg4[%dma_start3A_108, %dma_start3A_109] : memref<8x2944xf32, #tpu.memory_space<vmem>> -> memref<8x2048xf32, #tpu.memory_space<vmem>>
      tpu.enqueue_dma source(%dma_start3A_110 : memref<8x2048xf32, #tpu.memory_space<vmem>>) target(%dma_start3A_107 : memref<8x2048xf32, #tpu.memory_space<hbm>>) target_semaphore(%arg8 : memref<!tpu.dma_semaphore, #tpu.memory_space<semaphore_mem>>)
      %add3A_111 = arith.addi %mul3A_32, %add3A_82 : i32
      %add3A_112 = arith.constant 16 : i32
      %add3A_113 = arith.addi %add3A_111, %add3A_112 : i32
      %mul3A_114 = arith.constant 8 : i32
      %mul3A_115 = arith.muli %mul3A_114, %add3A_113 : i32
      %multiple_of3A_116 = tpu.assume_multiple %mul3A_115, 8 : i32
      %dma_start3A_117 = arith.constant 0 : i32
      %dma_start3A_118 = arith.constant 0 : i32
      %dma_start3A_119 = arith.constant 768 : i32
      %dma_start3A_120 = tpu.memref_slice %arg4[%dma_start3A_118, %dma_start3A_119] : memref<8x2944xf32, #tpu.memory_space<vmem>> -> memref<8x2048xf32, #tpu.memory_space<vmem>>
      %dma_start3A_121 = arith.constant 0 : i32
      %dma_start3A_122 = tpu.memref_slice %arg3[%dma_start3A_117, %select_n3A, %multiple_of3A_116, %dma_start3A_121] : memref<1x16x2048x2048xf32, #tpu.memory_space<hbm>> -> memref<1x1x8x2048xf32, #tpu.memory_space<hbm>>
      %dma_start3A_123 = tpu.memref_squeeze %dma_start3A_122 : memref<1x1x8x2048xf32, #tpu.memory_space<hbm>> -> memref<8x2048xf32, #tpu.memory_space<hbm>>
      %dma_start3A_124 = arith.constant 0 : i32
      %dma_start3A_125 = tpu.memref_slice %arg3[%dma_start3A_117, %select_n3A, %multiple_of3A_116, %dma_start3A_124] : memref<1x16x2048x2048xf32, #tpu.memory_space<hbm>> -> memref<1x1x8x2048xf32, #tpu.memory_space<hbm>>
      %dma_start3A_126 = tpu.memref_squeeze %dma_start3A_125 : memref<1x1x8x2048xf32, #tpu.memory_space<hbm>> -> memref<8x2048xf32, #tpu.memory_space<hbm>>
      %dma_start3A_127 = arith.constant 0 : i32
      %dma_start3A_128 = arith.constant 768 : i32
      %dma_start3A_129 = tpu.memref_slice %arg4[%dma_start3A_127, %dma_start3A_128] : memref<8x2944xf32, #tpu.memory_space<vmem>> -> memref<8x2048xf32, #tpu.memory_space<vmem>>
      tpu.enqueue_dma source(%dma_start3A_129 : memref<8x2048xf32, #tpu.memory_space<vmem>>) target(%dma_start3A_126 : memref<8x2048xf32, #tpu.memory_space<hbm>>) target_semaphore(%arg8 : memref<!tpu.dma_semaphore, #tpu.memory_space<semaphore_mem>>)
      %add3A_130 = arith.addi %mul3A_32, %add3A_82 : i32
      %add3A_131 = arith.constant 32 : i32
      %add3A_132 = arith.addi %add3A_130, %add3A_131 : i32
      %mul3A_133 = arith.constant 8 : i32
      %mul3A_134 = arith.muli %mul3A_133, %add3A_132 : i32
      %multiple_of3A_135 = tpu.assume_multiple %mul3A_134, 8 : i32
      %dma_start3A_136 = arith.constant 0 : i32
      %dma_start3A_137 = arith.constant 0 : i32
      %dma_start3A_138 = arith.constant 640 : i32
      %dma_start3A_139 = tpu.memref_slice %arg4[%dma_start3A_137, %dma_start3A_138] : memref<8x2944xf32, #tpu.memory_space<vmem>> -> memref<8x2048xf32, #tpu.memory_space<vmem>>
      %dma_start3A_140 = arith.constant 0 : i32
      %dma_start3A_141 = tpu.memref_slice %arg3[%dma_start3A_136, %select_n3A, %multiple_of3A_135, %dma_start3A_140] : memref<1x16x2048x2048xf32, #tpu.memory_space<hbm>> -> memref<1x1x8x2048xf32, #tpu.memory_space<hbm>>
      %dma_start3A_142 = tpu.memref_squeeze %dma_start3A_141 : memref<1x1x8x2048xf32, #tpu.memory_space<hbm>> -> memref<8x2048xf32, #tpu.memory_space<hbm>>
      %dma_start3A_143 = arith.constant 0 : i32
      %dma_start3A_144 = tpu.memref_slice %arg3[%dma_start3A_136, %select_n3A, %multiple_of3A_135, %dma_start3A_143] : memref<1x16x2048x2048xf32, #tpu.memory_space<hbm>> -> memref<1x1x8x2048xf32, #tpu.memory_space<hbm>>
      %dma_start3A_145 = tpu.memref_squeeze %dma_start3A_144 : memref<1x1x8x2048xf32, #tpu.memory_space<hbm>> -> memref<8x2048xf32, #tpu.memory_space<hbm>>
      %dma_start3A_146 = arith.constant 0 : i32
      %dma_start3A_147 = arith.constant 640 : i32
      %dma_start3A_148 = tpu.memref_slice %arg4[%dma_start3A_146, %dma_start3A_147] : memref<8x2944xf32, #tpu.memory_space<vmem>> -> memref<8x2048xf32, #tpu.memory_space<vmem>>
      tpu.enqueue_dma source(%dma_start3A_148 : memref<8x2048xf32, #tpu.memory_space<vmem>>) target(%dma_start3A_145 : memref<8x2048xf32, #tpu.memory_space<hbm>>) target_semaphore(%arg8 : memref<!tpu.dma_semaphore, #tpu.memory_space<semaphore_mem>>)
      %add3A_149 = arith.addi %mul3A_32, %add3A_82 : i32
      %add3A_150 = arith.constant 48 : i32
      %add3A_151 = arith.addi %add3A_149, %add3A_150 : i32
      %mul3A_152 = arith.constant 8 : i32
      %mul3A_153 = arith.muli %mul3A_152, %add3A_151 : i32
      %multiple_of3A_154 = tpu.assume_multiple %mul3A_153, 8 : i32
      %dma_start3A_155 = arith.constant 0 : i32
      %dma_start3A_156 = arith.constant 0 : i32
      %dma_start3A_157 = arith.constant 512 : i32
      %dma_start3A_158 = tpu.memref_slice %arg4[%dma_start3A_156, %dma_start3A_157] : memref<8x2944xf32, #tpu.memory_space<vmem>> -> memref<8x2048xf32, #tpu.memory_space<vmem>>
      %dma_start3A_159 = arith.constant 0 : i32
      %dma_start3A_160 = tpu.memref_slice %arg3[%dma_start3A_155, %select_n3A, %multiple_of3A_154, %dma_start3A_159] : memref<1x16x2048x2048xf32, #tpu.memory_space<hbm>> -> memref<1x1x8x2048xf32, #tpu.memory_space<hbm>>
      %dma_start3A_161 = tpu.memref_squeeze %dma_start3A_160 : memref<1x1x8x2048xf32, #tpu.memory_space<hbm>> -> memref<8x2048xf32, #tpu.memory_space<hbm>>
      %dma_start3A_162 = arith.constant 0 : i32
      %dma_start3A_163 = tpu.memref_slice %arg3[%dma_start3A_155, %select_n3A, %multiple_of3A_154, %dma_start3A_162] : memref<1x16x2048x2048xf32, #tpu.memory_space<hbm>> -> memref<1x1x8x2048xf32, #tpu.memory_space<hbm>>
      %dma_start3A_164 = tpu.memref_squeeze %dma_start3A_163 : memref<1x1x8x2048xf32, #tpu.memory_space<hbm>> -> memref<8x2048xf32, #tpu.memory_space<hbm>>
      %dma_start3A_165 = arith.constant 0 : i32
      %dma_start3A_166 = arith.constant 512 : i32
      %dma_start3A_167 = tpu.memref_slice %arg4[%dma_start3A_165, %dma_start3A_166] : memref<8x2944xf32, #tpu.memory_space<vmem>> -> memref<8x2048xf32, #tpu.memory_space<vmem>>
      tpu.enqueue_dma source(%dma_start3A_167 : memref<8x2048xf32, #tpu.memory_space<vmem>>) target(%dma_start3A_164 : memref<8x2048xf32, #tpu.memory_space<hbm>>) target_semaphore(%arg8 : memref<!tpu.dma_semaphore, #tpu.memory_space<semaphore_mem>>)
      %add3A_168 = arith.addi %mul3A_32, %add3A_82 : i32
      %add3A_169 = arith.constant 64 : i32
      %add3A_170 = arith.addi %add3A_168, %add3A_169 : i32
      %mul3A_171 = arith.constant 8 : i32
      %mul3A_172 = arith.muli %mul3A_171, %add3A_170 : i32
      %multiple_of3A_173 = tpu.assume_multiple %mul3A_172, 8 : i32
      %dma_start3A_174 = arith.constant 0 : i32
      %dma_start3A_175 = arith.constant 0 : i32
      %dma_start3A_176 = arith.constant 384 : i32
      %dma_start3A_177 = tpu.memref_slice %arg4[%dma_start3A_175, %dma_start3A_176] : memref<8x2944xf32, #tpu.memory_space<vmem>> -> memref<8x2048xf32, #tpu.memory_space<vmem>>
      %dma_start3A_178 = arith.constant 0 : i32
      %dma_start3A_179 = tpu.memref_slice %arg3[%dma_start3A_174, %select_n3A, %multiple_of3A_173, %dma_start3A_178] : memref<1x16x2048x2048xf32, #tpu.memory_space<hbm>> -> memref<1x1x8x2048xf32, #tpu.memory_space<hbm>>
      %dma_start3A_180 = tpu.memref_squeeze %dma_start3A_179 : memref<1x1x8x2048xf32, #tpu.memory_space<hbm>> -> memref<8x2048xf32, #tpu.memory_space<hbm>>
      %dma_start3A_181 = arith.constant 0 : i32
      %dma_start3A_182 = tpu.memref_slice %arg3[%dma_start3A_174, %select_n3A, %multiple_of3A_173, %dma_start3A_181] : memref<1x16x2048x2048xf32, #tpu.memory_space<hbm>> -> memref<1x1x8x2048xf32, #tpu.memory_space<hbm>>
      %dma_start3A_183 = tpu.memref_squeeze %dma_start3A_182 : memref<1x1x8x2048xf32, #tpu.memory_space<hbm>> -> memref<8x2048xf32, #tpu.memory_space<hbm>>
      %dma_start3A_184 = arith.constant 0 : i32
      %dma_start3A_185 = arith.constant 384 : i32
      %dma_start3A_186 = tpu.memref_slice %arg4[%dma_start3A_184, %dma_start3A_185] : memref<8x2944xf32, #tpu.memory_space<vmem>> -> memref<8x2048xf32, #tpu.memory_space<vmem>>
      tpu.enqueue_dma source(%dma_start3A_186 : memref<8x2048xf32, #tpu.memory_space<vmem>>) target(%dma_start3A_183 : memref<8x2048xf32, #tpu.memory_space<hbm>>) target_semaphore(%arg8 : memref<!tpu.dma_semaphore, #tpu.memory_space<semaphore_mem>>)
      %add3A_187 = arith.addi %mul3A_32, %add3A_82 : i32
      %add3A_188 = arith.constant 80 : i32
      %add3A_189 = arith.addi %add3A_187, %add3A_188 : i32
      %mul3A_190 = arith.constant 8 : i32
      %mul3A_191 = arith.muli %mul3A_190, %add3A_189 : i32
      %multiple_of3A_192 = tpu.assume_multiple %mul3A_191, 8 : i32
      %dma_start3A_193 = arith.constant 0 : i32
      %dma_start3A_194 = arith.constant 0 : i32
      %dma_start3A_195 = arith.constant 256 : i32
      %dma_start3A_196 = tpu.memref_slice %arg4[%dma_start3A_194, %dma_start3A_195] : memref<8x2944xf32, #tpu.memory_space<vmem>> -> memref<8x2048xf32, #tpu.memory_space<vmem>>
      %dma_start3A_197 = arith.constant 0 : i32
      %dma_start3A_198 = tpu.memref_slice %arg3[%dma_start3A_193, %select_n3A, %multiple_of3A_192, %dma_start3A_197] : memref<1x16x2048x2048xf32, #tpu.memory_space<hbm>> -> memref<1x1x8x2048xf32, #tpu.memory_space<hbm>>
      %dma_start3A_199 = tpu.memref_squeeze %dma_start3A_198 : memref<1x1x8x2048xf32, #tpu.memory_space<hbm>> -> memref<8x2048xf32, #tpu.memory_space<hbm>>
      %dma_start3A_200 = arith.constant 0 : i32
      %dma_start3A_201 = tpu.memref_slice %arg3[%dma_start3A_193, %select_n3A, %multiple_of3A_192, %dma_start3A_200] : memref<1x16x2048x2048xf32, #tpu.memory_space<hbm>> -> memref<1x1x8x2048xf32, #tpu.memory_space<hbm>>
      %dma_start3A_202 = tpu.memref_squeeze %dma_start3A_201 : memref<1x1x8x2048xf32, #tpu.memory_space<hbm>> -> memref<8x2048xf32, #tpu.memory_space<hbm>>
      %dma_start3A_203 = arith.constant 0 : i32
      %dma_start3A_204 = arith.constant 256 : i32
      %dma_start3A_205 = tpu.memref_slice %arg4[%dma_start3A_203, %dma_start3A_204] : memref<8x2944xf32, #tpu.memory_space<vmem>> -> memref<8x2048xf32, #tpu.memory_space<vmem>>
      tpu.enqueue_dma source(%dma_start3A_205 : memref<8x2048xf32, #tpu.memory_space<vmem>>) target(%dma_start3A_202 : memref<8x2048xf32, #tpu.memory_space<hbm>>) target_semaphore(%arg8 : memref<!tpu.dma_semaphore, #tpu.memory_space<semaphore_mem>>)
      %add3A_206 = arith.addi %mul3A_32, %add3A_82 : i32
      %add3A_207 = arith.constant 96 : i32
      %add3A_208 = arith.addi %add3A_206, %add3A_207 : i32
      %mul3A_209 = arith.constant 8 : i32
      %mul3A_210 = arith.muli %mul3A_209, %add3A_208 : i32
      %multiple_of3A_211 = tpu.assume_multiple %mul3A_210, 8 : i32
      %dma_start3A_212 = arith.constant 0 : i32
      %dma_start3A_213 = arith.constant 0 : i32
      %dma_start3A_214 = arith.constant 128 : i32
      %dma_start3A_215 = tpu.memref_slice %arg4[%dma_start3A_213, %dma_start3A_214] : memref<8x2944xf32, #tpu.memory_space<vmem>> -> memref<8x2048xf32, #tpu.memory_space<vmem>>
      %dma_start3A_216 = arith.constant 0 : i32
      %dma_start3A_217 = tpu.memref_slice %arg3[%dma_start3A_212, %select_n3A, %multiple_of3A_211, %dma_start3A_216] : memref<1x16x2048x2048xf32, #tpu.memory_space<hbm>> -> memref<1x1x8x2048xf32, #tpu.memory_space<hbm>>
      %dma_start3A_218 = tpu.memref_squeeze %dma_start3A_217 : memref<1x1x8x2048xf32, #tpu.memory_space<hbm>> -> memref<8x2048xf32, #tpu.memory_space<hbm>>
      %dma_start3A_219 = arith.constant 0 : i32
      %dma_start3A_220 = tpu.memref_slice %arg3[%dma_start3A_212, %select_n3A, %multiple_of3A_211, %dma_start3A_219] : memref<1x16x2048x2048xf32, #tpu.memory_space<hbm>> -> memref<1x1x8x2048xf32, #tpu.memory_space<hbm>>
      %dma_start3A_221 = tpu.memref_squeeze %dma_start3A_220 : memref<1x1x8x2048xf32, #tpu.memory_space<hbm>> -> memref<8x2048xf32, #tpu.memory_space<hbm>>
      %dma_start3A_222 = arith.constant 0 : i32
      %dma_start3A_223 = arith.constant 128 : i32
      %dma_start3A_224 = tpu.memref_slice %arg4[%dma_start3A_222, %dma_start3A_223] : memref<8x2944xf32, #tpu.memory_space<vmem>> -> memref<8x2048xf32, #tpu.memory_space<vmem>>
      tpu.enqueue_dma source(%dma_start3A_224 : memref<8x2048xf32, #tpu.memory_space<vmem>>) target(%dma_start3A_221 : memref<8x2048xf32, #tpu.memory_space<hbm>>) target_semaphore(%arg8 : memref<!tpu.dma_semaphore, #tpu.memory_space<semaphore_mem>>)
      %add3A_225 = arith.addi %mul3A_32, %add3A_82 : i32
      %add3A_226 = arith.constant 112 : i32
      %add3A_227 = arith.addi %add3A_225, %add3A_226 : i32
      %mul3A_228 = arith.constant 8 : i32
      %mul3A_229 = arith.muli %mul3A_228, %add3A_227 : i32
      %multiple_of3A_230 = tpu.assume_multiple %mul3A_229, 8 : i32
      %dma_start3A_231 = arith.constant 0 : i32
      %dma_start3A_232 = arith.constant 0 : i32
      %dma_start3A_233 = arith.constant 0 : i32
      %dma_start3A_234 = tpu.memref_slice %arg4[%dma_start3A_232, %dma_start3A_233] : memref<8x2944xf32, #tpu.memory_space<vmem>> -> memref<8x2048xf32, #tpu.memory_space<vmem>>
      %dma_start3A_235 = arith.constant 0 : i32
      %dma_start3A_236 = tpu.memref_slice %arg3[%dma_start3A_231, %select_n3A, %multiple_of3A_230, %dma_start3A_235] : memref<1x16x2048x2048xf32, #tpu.memory_space<hbm>> -> memref<1x1x8x2048xf32, #tpu.memory_space<hbm>>
      %dma_start3A_237 = tpu.memref_squeeze %dma_start3A_236 : memref<1x1x8x2048xf32, #tpu.memory_space<hbm>> -> memref<8x2048xf32, #tpu.memory_space<hbm>>
      %dma_start3A_238 = arith.constant 0 : i32
      %dma_start3A_239 = tpu.memref_slice %arg3[%dma_start3A_231, %select_n3A, %multiple_of3A_230, %dma_start3A_238] : memref<1x16x2048x2048xf32, #tpu.memory_space<hbm>> -> memref<1x1x8x2048xf32, #tpu.memory_space<hbm>>
      %dma_start3A_240 = tpu.memref_squeeze %dma_start3A_239 : memref<1x1x8x2048xf32, #tpu.memory_space<hbm>> -> memref<8x2048xf32, #tpu.memory_space<hbm>>
      %dma_start3A_241 = arith.constant 0 : i32
      %dma_start3A_242 = arith.constant 0 : i32
      %dma_start3A_243 = tpu.memref_slice %arg4[%dma_start3A_241, %dma_start3A_242] : memref<8x2944xf32, #tpu.memory_space<vmem>> -> memref<8x2048xf32, #tpu.memory_space<vmem>>
      tpu.enqueue_dma source(%dma_start3A_243 : memref<8x2048xf32, #tpu.memory_space<vmem>>) target(%dma_start3A_240 : memref<8x2048xf32, #tpu.memory_space<hbm>>) target_semaphore(%arg8 : memref<!tpu.dma_semaphore, #tpu.memory_space<semaphore_mem>>)
      %dma_wait3A_244 = arith.constant 0 : i32
      %dma_wait3A_245 = arith.constant 0 : i32
      %dma_wait3A_246 = arith.constant 0 : i32
      %dma_wait3A_247 = arith.constant 0 : i32
      %dma_wait3A_248 = tpu.memref_slice %arg4[%dma_wait3A_246, %dma_wait3A_247] : memref<8x2944xf32, #tpu.memory_space<vmem>> -> memref<8x2048xf32, #tpu.memory_space<vmem>>
      %dma_wait3A_249 = arith.constant 0 : i32
      %dma_wait3A_250 = arith.constant 0 : i32
      %dma_wait3A_251 = tpu.memref_slice %arg3[%dma_wait3A_244, %dma_wait3A_245, %dma_wait3A_249, %dma_wait3A_250] : memref<1x16x2048x2048xf32, #tpu.memory_space<hbm>> -> memref<1x1x8x2048xf32, #tpu.memory_space<hbm>>
      %dma_wait3A_252 = tpu.memref_squeeze %dma_wait3A_251 : memref<1x1x8x2048xf32, #tpu.memory_space<hbm>> -> memref<8x2048xf32, #tpu.memory_space<hbm>>
      %dma_wait3A_253 = arith.constant 0 : i32
      %dma_wait3A_254 = arith.constant 0 : i32
      %dma_wait3A_255 = tpu.memref_slice %arg3[%dma_wait3A_244, %dma_wait3A_245, %dma_wait3A_253, %dma_wait3A_254] : memref<1x16x2048x2048xf32, #tpu.memory_space<hbm>> -> memref<1x1x8x2048xf32, #tpu.memory_space<hbm>>
      %dma_wait3A_256 = tpu.memref_squeeze %dma_wait3A_255 : memref<1x1x8x2048xf32, #tpu.memory_space<hbm>> -> memref<8x2048xf32, #tpu.memory_space<hbm>>
      %dma_wait3A_257 = arith.constant 0 : i32
      %dma_wait3A_258 = arith.constant 0 : i32
      %dma_wait3A_259 = tpu.memref_slice %arg4[%dma_wait3A_257, %dma_wait3A_258] : memref<8x2944xf32, #tpu.memory_space<vmem>> -> memref<8x2048xf32, #tpu.memory_space<vmem>>
      tpu.wait_dma2 semaphore(%arg8 : memref<!tpu.dma_semaphore, #tpu.memory_space<semaphore_mem>>) src(%dma_wait3A_259 : memref<8x2048xf32, #tpu.memory_space<vmem>>) dst(%dma_wait3A_256 : memref<8x2048xf32, #tpu.memory_space<hbm>>)
      %dma_wait3A_260 = arith.constant 0 : i32
      %dma_wait3A_261 = arith.constant 0 : i32
      %dma_wait3A_262 = arith.constant 0 : i32
      %dma_wait3A_263 = arith.constant 0 : i32
      %dma_wait3A_264 = tpu.memref_slice %arg4[%dma_wait3A_262, %dma_wait3A_263] : memref<8x2944xf32, #tpu.memory_space<vmem>> -> memref<8x2048xf32, #tpu.memory_space<vmem>>
      %dma_wait3A_265 = arith.constant 0 : i32
      %dma_wait3A_266 = arith.constant 0 : i32
      %dma_wait3A_267 = tpu.memref_slice %arg3[%dma_wait3A_260, %dma_wait3A_261, %dma_wait3A_265, %dma_wait3A_266] : memref<1x16x2048x2048xf32, #tpu.memory_space<hbm>> -> memref<1x1x8x2048xf32, #tpu.memory_space<hbm>>
      %dma_wait3A_268 = tpu.memref_squeeze %dma_wait3A_267 : memref<1x1x8x2048xf32, #tpu.memory_space<hbm>> -> memref<8x2048xf32, #tpu.memory_space<hbm>>
      %dma_wait3A_269 = arith.constant 0 : i32
      %dma_wait3A_270 = arith.constant 0 : i32
      %dma_wait3A_271 = tpu.memref_slice %arg3[%dma_wait3A_260, %dma_wait3A_261, %dma_wait3A_269, %dma_wait3A_270] : memref<1x16x2048x2048xf32, #tpu.memory_space<hbm>> -> memref<1x1x8x2048xf32, #tpu.memory_space<hbm>>
      %dma_wait3A_272 = tpu.memref_squeeze %dma_wait3A_271 : memref<1x1x8x2048xf32, #tpu.memory_space<hbm>> -> memref<8x2048xf32, #tpu.memory_space<hbm>>
      %dma_wait3A_273 = arith.constant 0 : i32
      %dma_wait3A_274 = arith.constant 0 : i32
      %dma_wait3A_275 = tpu.memref_slice %arg4[%dma_wait3A_273, %dma_wait3A_274] : memref<8x2944xf32, #tpu.memory_space<vmem>> -> memref<8x2048xf32, #tpu.memory_space<vmem>>
      tpu.wait_dma2 semaphore(%arg8 : memref<!tpu.dma_semaphore, #tpu.memory_space<semaphore_mem>>) src(%dma_wait3A_275 : memref<8x2048xf32, #tpu.memory_space<vmem>>) dst(%dma_wait3A_272 : memref<8x2048xf32, #tpu.memory_space<hbm>>)
      %dma_wait3A_276 = arith.constant 0 : i32
      %dma_wait3A_277 = arith.constant 0 : i32
      %dma_wait3A_278 = arith.constant 0 : i32
      %dma_wait3A_279 = arith.constant 0 : i32
      %dma_wait3A_280 = tpu.memref_slice %arg4[%dma_wait3A_278, %dma_wait3A_279] : memref<8x2944xf32, #tpu.memory_space<vmem>> -> memref<8x2048xf32, #tpu.memory_space<vmem>>
      %dma_wait3A_281 = arith.constant 0 : i32
      %dma_wait3A_282 = arith.constant 0 : i32
      %dma_wait3A_283 = tpu.memref_slice %arg3[%dma_wait3A_276, %dma_wait3A_277, %dma_wait3A_281, %dma_wait3A_282] : memref<1x16x2048x2048xf32, #tpu.memory_space<hbm>> -> memref<1x1x8x2048xf32, #tpu.memory_space<hbm>>
      %dma_wait3A_284 = tpu.memref_squeeze %dma_wait3A_283 : memref<1x1x8x2048xf32, #tpu.memory_space<hbm>> -> memref<8x2048xf32, #tpu.memory_space<hbm>>
      %dma_wait3A_285 = arith.constant 0 : i32
      %dma_wait3A_286 = arith.constant 0 : i32
      %dma_wait3A_287 = tpu.memref_slice %arg3[%dma_wait3A_276, %dma_wait3A_277, %dma_wait3A_285, %dma_wait3A_286] : memref<1x16x2048x2048xf32, #tpu.memory_space<hbm>> -> memref<1x1x8x2048xf32, #tpu.memory_space<hbm>>
      %dma_wait3A_288 = tpu.memref_squeeze %dma_wait3A_287 : memref<1x1x8x2048xf32, #tpu.memory_space<hbm>> -> memref<8x2048xf32, #tpu.memory_space<hbm>>
      %dma_wait3A_289 = arith.constant 0 : i32
      %dma_wait3A_290 = arith.constant 0 : i32
      %dma_wait3A_291 = tpu.memref_slice %arg4[%dma_wait3A_289, %dma_wait3A_290] : memref<8x2944xf32, #tpu.memory_space<vmem>> -> memref<8x2048xf32, #tpu.memory_space<vmem>>
      tpu.wait_dma2 semaphore(%arg8 : memref<!tpu.dma_semaphore, #tpu.memory_space<semaphore_mem>>) src(%dma_wait3A_291 : memref<8x2048xf32, #tpu.memory_space<vmem>>) dst(%dma_wait3A_288 : memref<8x2048xf32, #tpu.memory_space<hbm>>)
      %dma_wait3A_292 = arith.constant 0 : i32
      %dma_wait3A_293 = arith.constant 0 : i32
      %dma_wait3A_294 = arith.constant 0 : i32
      %dma_wait3A_295 = arith.constant 0 : i32
      %dma_wait3A_296 = tpu.memref_slice %arg4[%dma_wait3A_294, %dma_wait3A_295] : memref<8x2944xf32, #tpu.memory_space<vmem>> -> memref<8x2048xf32, #tpu.memory_space<vmem>>
      %dma_wait3A_297 = arith.constant 0 : i32
      %dma_wait3A_298 = arith.constant 0 : i32
      %dma_wait3A_299 = tpu.memref_slice %arg3[%dma_wait3A_292, %dma_wait3A_293, %dma_wait3A_297, %dma_wait3A_298] : memref<1x16x2048x2048xf32, #tpu.memory_space<hbm>> -> memref<1x1x8x2048xf32, #tpu.memory_space<hbm>>
      %dma_wait3A_300 = tpu.memref_squeeze %dma_wait3A_299 : memref<1x1x8x2048xf32, #tpu.memory_space<hbm>> -> memref<8x2048xf32, #tpu.memory_space<hbm>>
      %dma_wait3A_301 = arith.constant 0 : i32
      %dma_wait3A_302 = arith.constant 0 : i32
      %dma_wait3A_303 = tpu.memref_slice %arg3[%dma_wait3A_292, %dma_wait3A_293, %dma_wait3A_301, %dma_wait3A_302] : memref<1x16x2048x2048xf32, #tpu.memory_space<hbm>> -> memref<1x1x8x2048xf32, #tpu.memory_space<hbm>>
      %dma_wait3A_304 = tpu.memref_squeeze %dma_wait3A_303 : memref<1x1x8x2048xf32, #tpu.memory_space<hbm>> -> memref<8x2048xf32, #tpu.memory_space<hbm>>
      %dma_wait3A_305 = arith.constant 0 : i32
      %dma_wait3A_306 = arith.constant 0 : i32
      %dma_wait3A_307 = tpu.memref_slice %arg4[%dma_wait3A_305, %dma_wait3A_306] : memref<8x2944xf32, #tpu.memory_space<vmem>> -> memref<8x2048xf32, #tpu.memory_space<vmem>>
      tpu.wait_dma2 semaphore(%arg8 : memref<!tpu.dma_semaphore, #tpu.memory_space<semaphore_mem>>) src(%dma_wait3A_307 : memref<8x2048xf32, #tpu.memory_space<vmem>>) dst(%dma_wait3A_304 : memref<8x2048xf32, #tpu.memory_space<hbm>>)
      %dma_wait3A_308 = arith.constant 0 : i32
      %dma_wait3A_309 = arith.constant 0 : i32
      %dma_wait3A_310 = arith.constant 0 : i32
      %dma_wait3A_311 = arith.constant 0 : i32
      %dma_wait3A_312 = tpu.memref_slice %arg4[%dma_wait3A_310, %dma_wait3A_311] : memref<8x2944xf32, #tpu.memory_space<vmem>> -> memref<8x2048xf32, #tpu.memory_space<vmem>>
      %dma_wait3A_313 = arith.constant 0 : i32
      %dma_wait3A_314 = arith.constant 0 : i32
      %dma_wait3A_315 = tpu.memref_slice %arg3[%dma_wait3A_308, %dma_wait3A_309, %dma_wait3A_313, %dma_wait3A_314] : memref<1x16x2048x2048xf32, #tpu.memory_space<hbm>> -> memref<1x1x8x2048xf32, #tpu.memory_space<hbm>>
      %dma_wait3A_316 = tpu.memref_squeeze %dma_wait3A_315 : memref<1x1x8x2048xf32, #tpu.memory_space<hbm>> -> memref<8x2048xf32, #tpu.memory_space<hbm>>
      %dma_wait3A_317 = arith.constant 0 : i32
      %dma_wait3A_318 = arith.constant 0 : i32
      %dma_wait3A_319 = tpu.memref_slice %arg3[%dma_wait3A_308, %dma_wait3A_309, %dma_wait3A_317, %dma_wait3A_318] : memref<1x16x2048x2048xf32, #tpu.memory_space<hbm>> -> memref<1x1x8x2048xf32, #tpu.memory_space<hbm>>
      %dma_wait3A_320 = tpu.memref_squeeze %dma_wait3A_319 : memref<1x1x8x2048xf32, #tpu.memory_space<hbm>> -> memref<8x2048xf32, #tpu.memory_space<hbm>>
      %dma_wait3A_321 = arith.constant 0 : i32
      %dma_wait3A_322 = arith.constant 0 : i32
      %dma_wait3A_323 = tpu.memref_slice %arg4[%dma_wait3A_321, %dma_wait3A_322] : memref<8x2944xf32, #tpu.memory_space<vmem>> -> memref<8x2048xf32, #tpu.memory_space<vmem>>
      tpu.wait_dma2 semaphore(%arg8 : memref<!tpu.dma_semaphore, #tpu.memory_space<semaphore_mem>>) src(%dma_wait3A_323 : memref<8x2048xf32, #tpu.memory_space<vmem>>) dst(%dma_wait3A_320 : memref<8x2048xf32, #tpu.memory_space<hbm>>)
      %dma_wait3A_324 = arith.constant 0 : i32
      %dma_wait3A_325 = arith.constant 0 : i32
      %dma_wait3A_326 = arith.constant 0 : i32
      %dma_wait3A_327 = arith.constant 0 : i32
      %dma_wait3A_328 = tpu.memref_slice %arg4[%dma_wait3A_326, %dma_wait3A_327] : memref<8x2944xf32, #tpu.memory_space<vmem>> -> memref<8x2048xf32, #tpu.memory_space<vmem>>
      %dma_wait3A_329 = arith.constant 0 : i32
      %dma_wait3A_330 = arith.constant 0 : i32
      %dma_wait3A_331 = tpu.memref_slice %arg3[%dma_wait3A_324, %dma_wait3A_325, %dma_wait3A_329, %dma_wait3A_330] : memref<1x16x2048x2048xf32, #tpu.memory_space<hbm>> -> memref<1x1x8x2048xf32, #tpu.memory_space<hbm>>
      %dma_wait3A_332 = tpu.memref_squeeze %dma_wait3A_331 : memref<1x1x8x2048xf32, #tpu.memory_space<hbm>> -> memref<8x2048xf32, #tpu.memory_space<hbm>>
      %dma_wait3A_333 = arith.constant 0 : i32
      %dma_wait3A_334 = arith.constant 0 : i32
      %dma_wait3A_335 = tpu.memref_slice %arg3[%dma_wait3A_324, %dma_wait3A_325, %dma_wait3A_333, %dma_wait3A_334] : memref<1x16x2048x2048xf32, #tpu.memory_space<hbm>> -> memref<1x1x8x2048xf32, #tpu.memory_space<hbm>>
      %dma_wait3A_336 = tpu.memref_squeeze %dma_wait3A_335 : memref<1x1x8x2048xf32, #tpu.memory_space<hbm>> -> memref<8x2048xf32, #tpu.memory_space<hbm>>
      %dma_wait3A_337 = arith.constant 0 : i32
      %dma_wait3A_338 = arith.constant 0 : i32
      %dma_wait3A_339 = tpu.memref_slice %arg4[%dma_wait3A_337, %dma_wait3A_338] : memref<8x2944xf32, #tpu.memory_space<vmem>> -> memref<8x2048xf32, #tpu.memory_space<vmem>>
      tpu.wait_dma2 semaphore(%arg8 : memref<!tpu.dma_semaphore, #tpu.memory_space<semaphore_mem>>) src(%dma_wait3A_339 : memref<8x2048xf32, #tpu.memory_space<vmem>>) dst(%dma_wait3A_336 : memref<8x2048xf32, #tpu.memory_space<hbm>>)
      %dma_wait3A_340 = arith.constant 0 : i32
      %dma_wait3A_341 = arith.constant 0 : i32
      %dma_wait3A_342 = arith.constant 0 : i32
      %dma_wait3A_343 = arith.constant 0 : i32
      %dma_wait3A_344 = tpu.memref_slice %arg4[%dma_wait3A_342, %dma_wait3A_343] : memref<8x2944xf32, #tpu.memory_space<vmem>> -> memref<8x2048xf32, #tpu.memory_space<vmem>>
      %dma_wait3A_345 = arith.constant 0 : i32
      %dma_wait3A_346 = arith.constant 0 : i32
      %dma_wait3A_347 = tpu.memref_slice %arg3[%dma_wait3A_340, %dma_wait3A_341, %dma_wait3A_345, %dma_wait3A_346] : memref<1x16x2048x2048xf32, #tpu.memory_space<hbm>> -> memref<1x1x8x2048xf32, #tpu.memory_space<hbm>>
      %dma_wait3A_348 = tpu.memref_squeeze %dma_wait3A_347 : memref<1x1x8x2048xf32, #tpu.memory_space<hbm>> -> memref<8x2048xf32, #tpu.memory_space<hbm>>
      %dma_wait3A_349 = arith.constant 0 : i32
      %dma_wait3A_350 = arith.constant 0 : i32
      %dma_wait3A_351 = tpu.memref_slice %arg3[%dma_wait3A_340, %dma_wait3A_341, %dma_wait3A_349, %dma_wait3A_350] : memref<1x16x2048x2048xf32, #tpu.memory_space<hbm>> -> memref<1x1x8x2048xf32, #tpu.memory_space<hbm>>
      %dma_wait3A_352 = tpu.memref_squeeze %dma_wait3A_351 : memref<1x1x8x2048xf32, #tpu.memory_space<hbm>> -> memref<8x2048xf32, #tpu.memory_space<hbm>>
      %dma_wait3A_353 = arith.constant 0 : i32
      %dma_wait3A_354 = arith.constant 0 : i32
      %dma_wait3A_355 = tpu.memref_slice %arg4[%dma_wait3A_353, %dma_wait3A_354] : memref<8x2944xf32, #tpu.memory_space<vmem>> -> memref<8x2048xf32, #tpu.memory_space<vmem>>
      tpu.wait_dma2 semaphore(%arg8 : memref<!tpu.dma_semaphore, #tpu.memory_space<semaphore_mem>>) src(%dma_wait3A_355 : memref<8x2048xf32, #tpu.memory_space<vmem>>) dst(%dma_wait3A_352 : memref<8x2048xf32, #tpu.memory_space<hbm>>)
      %dma_wait3A_356 = arith.constant 0 : i32
      %dma_wait3A_357 = arith.constant 0 : i32
      %dma_wait3A_358 = arith.constant 0 : i32
      %dma_wait3A_359 = arith.constant 0 : i32
      %dma_wait3A_360 = tpu.memref_slice %arg4[%dma_wait3A_358, %dma_wait3A_359] : memref<8x2944xf32, #tpu.memory_space<vmem>> -> memref<8x2048xf32, #tpu.memory_space<vmem>>
      %dma_wait3A_361 = arith.constant 0 : i32
      %dma_wait3A_362 = arith.constant 0 : i32
      %dma_wait3A_363 = tpu.memref_slice %arg3[%dma_wait3A_356, %dma_wait3A_357, %dma_wait3A_361, %dma_wait3A_362] : memref<1x16x2048x2048xf32, #tpu.memory_space<hbm>> -> memref<1x1x8x2048xf32, #tpu.memory_space<hbm>>
      %dma_wait3A_364 = tpu.memref_squeeze %dma_wait3A_363 : memref<1x1x8x2048xf32, #tpu.memory_space<hbm>> -> memref<8x2048xf32, #tpu.memory_space<hbm>>
      %dma_wait3A_365 = arith.constant 0 : i32
      %dma_wait3A_366 = arith.constant 0 : i32
      %dma_wait3A_367 = tpu.memref_slice %arg3[%dma_wait3A_356, %dma_wait3A_357, %dma_wait3A_365, %dma_wait3A_366] : memref<1x16x2048x2048xf32, #tpu.memory_space<hbm>> -> memref<1x1x8x2048xf32, #tpu.memory_space<hbm>>
      %dma_wait3A_368 = tpu.memref_squeeze %dma_wait3A_367 : memref<1x1x8x2048xf32, #tpu.memory_space<hbm>> -> memref<8x2048xf32, #tpu.memory_space<hbm>>
      %dma_wait3A_369 = arith.constant 0 : i32
      %dma_wait3A_370 = arith.constant 0 : i32
      %dma_wait3A_371 = tpu.memref_slice %arg4[%dma_wait3A_369, %dma_wait3A_370] : memref<8x2944xf32, #tpu.memory_space<vmem>> -> memref<8x2048xf32, #tpu.memory_space<vmem>>
      tpu.wait_dma2 semaphore(%arg8 : memref<!tpu.dma_semaphore, #tpu.memory_space<semaphore_mem>>) src(%dma_wait3A_371 : memref<8x2048xf32, #tpu.memory_space<vmem>>) dst(%dma_wait3A_368 : memref<8x2048xf32, #tpu.memory_space<hbm>>)
      %add3A_372 = arith.constant 2 : i32
      %add3A_373 = arith.addi %add3A_82, %add3A_372 : i32
      %rem3A_374 = arith.constant 16 : i32
      %rem3A_375 = arith.remsi %add3A_373, %rem3A_374 : i32
      %mul3A_376 = arith.constant 8 : i32
      %mul3A_377 = arith.muli %mul3A_376, %rem3A_375 : i32
      %multiple_of3A_378 = tpu.assume_multiple %mul3A_377, 8 : i32
      %multiple_of3A_379 = tpu.assume_multiple %mul3A_36, 128 : i32
      %dma_start3A_380 = tpu.memref_slice %arg2[%select_n3A, %multiple_of3A_378, %multiple_of3A_379] : memref<16x128x3968xf32, #tpu.memory_space<hbm>> -> memref<1x8x2944xf32, #tpu.memory_space<hbm>>
      %dma_start3A_381 = tpu.memref_squeeze %dma_start3A_380 : memref<1x8x2944xf32, #tpu.memory_space<hbm>> -> memref<8x2944xf32, #tpu.memory_space<hbm>>
      %dma_start3A_382 = tpu.memref_slice %arg2[%select_n3A, %multiple_of3A_378, %multiple_of3A_379] : memref<16x128x3968xf32, #tpu.memory_space<hbm>> -> memref<1x8x2944xf32, #tpu.memory_space<hbm>>
      %dma_start3A_383 = tpu.memref_squeeze %dma_start3A_382 : memref<1x8x2944xf32, #tpu.memory_space<hbm>> -> memref<8x2944xf32, #tpu.memory_space<hbm>>
      tpu.enqueue_dma source(%dma_start3A_383 : memref<8x2944xf32, #tpu.memory_space<hbm>>) target(%arg4 : memref<8x2944xf32, #tpu.memory_space<vmem>>) target_semaphore(%arg6 : memref<!tpu.dma_semaphore, #tpu.memory_space<semaphore_mem>>)
      %mul3A_384 = arith.constant 2 : i32
      %mul3A_385 = arith.muli %mul3A_384, %scan3A_78 : i32
      %add3A_386 = arith.constant 1 : i32
      %add3A_387 = arith.addi %mul3A_385, %add3A_386 : i32
      %dma_wait3A_388 = arith.constant 0 : i32
      %dma_wait3A_389 = arith.constant 0 : i32
      %dma_wait3A_390 = arith.constant 0 : i32
      %dma_wait3A_391 = tpu.memref_slice %arg2[%dma_wait3A_388, %dma_wait3A_389, %dma_wait3A_390] : memref<16x128x3968xf32, #tpu.memory_space<hbm>> -> memref<1x8x2944xf32, #tpu.memory_space<hbm>>
      %dma_wait3A_392 = tpu.memref_squeeze %dma_wait3A_391 : memref<1x8x2944xf32, #tpu.memory_space<hbm>> -> memref<8x2944xf32, #tpu.memory_space<hbm>>
      %dma_wait3A_393 = arith.constant 0 : i32
      %dma_wait3A_394 = arith.constant 0 : i32
      %dma_wait3A_395 = tpu.memref_slice %arg2[%dma_wait3A_388, %dma_wait3A_393, %dma_wait3A_394] : memref<16x128x3968xf32, #tpu.memory_space<hbm>> -> memref<1x8x2944xf32, #tpu.memory_space<hbm>>
      %dma_wait3A_396 = tpu.memref_squeeze %dma_wait3A_395 : memref<1x8x2944xf32, #tpu.memory_space<hbm>> -> memref<8x2944xf32, #tpu.memory_space<hbm>>
      tpu.wait_dma2 semaphore(%arg7 : memref<!tpu.dma_semaphore, #tpu.memory_space<semaphore_mem>>) src(%dma_wait3A_396 : memref<8x2944xf32, #tpu.memory_space<hbm>>) dst(%arg5 : memref<8x2944xf32, #tpu.memory_space<vmem>>)
      %add3A_397 = arith.addi %mul3A_32, %add3A_387 : i32
      %add3A_398 = arith.constant 0 : i32
      %add3A_399 = arith.addi %add3A_397, %add3A_398 : i32
      %mul3A_400 = arith.constant 8 : i32
      %mul3A_401 = arith.muli %mul3A_400, %add3A_399 : i32
      %multiple_of3A_402 = tpu.assume_multiple %mul3A_401, 8 : i32
      %dma_start3A_403 = arith.constant 0 : i32
      %dma_start3A_404 = arith.constant 0 : i32
      %dma_start3A_405 = arith.constant 896 : i32
      %dma_start3A_406 = tpu.memref_slice %arg5[%dma_start3A_404, %dma_start3A_405] : memref<8x2944xf32, #tpu.memory_space<vmem>> -> memref<8x2048xf32, #tpu.memory_space<vmem>>
      %dma_start3A_407 = arith.constant 0 : i32
      %dma_start3A_408 = tpu.memref_slice %arg3[%dma_start3A_403, %select_n3A, %multiple_of3A_402, %dma_start3A_407] : memref<1x16x2048x2048xf32, #tpu.memory_space<hbm>> -> memref<1x1x8x2048xf32, #tpu.memory_space<hbm>>
      %dma_start3A_409 = tpu.memref_squeeze %dma_start3A_408 : memref<1x1x8x2048xf32, #tpu.memory_space<hbm>> -> memref<8x2048xf32, #tpu.memory_space<hbm>>
      %dma_start3A_410 = arith.constant 0 : i32
      %dma_start3A_411 = tpu.memref_slice %arg3[%dma_start3A_403, %select_n3A, %multiple_of3A_402, %dma_start3A_410] : memref<1x16x2048x2048xf32, #tpu.memory_space<hbm>> -> memref<1x1x8x2048xf32, #tpu.memory_space<hbm>>
      %dma_start3A_412 = tpu.memref_squeeze %dma_start3A_411 : memref<1x1x8x2048xf32, #tpu.memory_space<hbm>> -> memref<8x2048xf32, #tpu.memory_space<hbm>>
      %dma_start3A_413 = arith.constant 0 : i32
      %dma_start3A_414 = arith.constant 896 : i32
      %dma_start3A_415 = tpu.memref_slice %arg5[%dma_start3A_413, %dma_start3A_414] : memref<8x2944xf32, #tpu.memory_space<vmem>> -> memref<8x2048xf32, #tpu.memory_space<vmem>>
      tpu.enqueue_dma source(%dma_start3A_415 : memref<8x2048xf32, #tpu.memory_space<vmem>>) target(%dma_start3A_412 : memref<8x2048xf32, #tpu.memory_space<hbm>>) target_semaphore(%arg8 : memref<!tpu.dma_semaphore, #tpu.memory_space<semaphore_mem>>)
      %add3A_416 = arith.addi %mul3A_32, %add3A_387 : i32
      %add3A_417 = arith.constant 16 : i32
      %add3A_418 = arith.addi %add3A_416, %add3A_417 : i32
      %mul3A_419 = arith.constant 8 : i32
      %mul3A_420 = arith.muli %mul3A_419, %add3A_418 : i32
      %multiple_of3A_421 = tpu.assume_multiple %mul3A_420, 8 : i32
      %dma_start3A_422 = arith.constant 0 : i32
      %dma_start3A_423 = arith.constant 0 : i32
      %dma_start3A_424 = arith.constant 768 : i32
      %dma_start3A_425 = tpu.memref_slice %arg5[%dma_start3A_423, %dma_start3A_424] : memref<8x2944xf32, #tpu.memory_space<vmem>> -> memref<8x2048xf32, #tpu.memory_space<vmem>>
      %dma_start3A_426 = arith.constant 0 : i32
      %dma_start3A_427 = tpu.memref_slice %arg3[%dma_start3A_422, %select_n3A, %multiple_of3A_421, %dma_start3A_426] : memref<1x16x2048x2048xf32, #tpu.memory_space<hbm>> -> memref<1x1x8x2048xf32, #tpu.memory_space<hbm>>
      %dma_start3A_428 = tpu.memref_squeeze %dma_start3A_427 : memref<1x1x8x2048xf32, #tpu.memory_space<hbm>> -> memref<8x2048xf32, #tpu.memory_space<hbm>>
      %dma_start3A_429 = arith.constant 0 : i32
      %dma_start3A_430 = tpu.memref_slice %arg3[%dma_start3A_422, %select_n3A, %multiple_of3A_421, %dma_start3A_429] : memref<1x16x2048x2048xf32, #tpu.memory_space<hbm>> -> memref<1x1x8x2048xf32, #tpu.memory_space<hbm>>
      %dma_start3A_431 = tpu.memref_squeeze %dma_start3A_430 : memref<1x1x8x2048xf32, #tpu.memory_space<hbm>> -> memref<8x2048xf32, #tpu.memory_space<hbm>>
      %dma_start3A_432 = arith.constant 0 : i32
      %dma_start3A_433 = arith.constant 768 : i32
      %dma_start3A_434 = tpu.memref_slice %arg5[%dma_start3A_432, %dma_start3A_433] : memref<8x2944xf32, #tpu.memory_space<vmem>> -> memref<8x2048xf32, #tpu.memory_space<vmem>>
      tpu.enqueue_dma source(%dma_start3A_434 : memref<8x2048xf32, #tpu.memory_space<vmem>>) target(%dma_start3A_431 : memref<8x2048xf32, #tpu.memory_space<hbm>>) target_semaphore(%arg8 : memref<!tpu.dma_semaphore, #tpu.memory_space<semaphore_mem>>)
      %add3A_435 = arith.addi %mul3A_32, %add3A_387 : i32
      %add3A_436 = arith.constant 32 : i32
      %add3A_437 = arith.addi %add3A_435, %add3A_436 : i32
      %mul3A_438 = arith.constant 8 : i32
      %mul3A_439 = arith.muli %mul3A_438, %add3A_437 : i32
      %multiple_of3A_440 = tpu.assume_multiple %mul3A_439, 8 : i32
      %dma_start3A_441 = arith.constant 0 : i32
      %dma_start3A_442 = arith.constant 0 : i32
      %dma_start3A_443 = arith.constant 640 : i32
      %dma_start3A_444 = tpu.memref_slice %arg5[%dma_start3A_442, %dma_start3A_443] : memref<8x2944xf32, #tpu.memory_space<vmem>> -> memref<8x2048xf32, #tpu.memory_space<vmem>>
      %dma_start3A_445 = arith.constant 0 : i32
      %dma_start3A_446 = tpu.memref_slice %arg3[%dma_start3A_441, %select_n3A, %multiple_of3A_440, %dma_start3A_445] : memref<1x16x2048x2048xf32, #tpu.memory_space<hbm>> -> memref<1x1x8x2048xf32, #tpu.memory_space<hbm>>
      %dma_start3A_447 = tpu.memref_squeeze %dma_start3A_446 : memref<1x1x8x2048xf32, #tpu.memory_space<hbm>> -> memref<8x2048xf32, #tpu.memory_space<hbm>>
      %dma_start3A_448 = arith.constant 0 : i32
      %dma_start3A_449 = tpu.memref_slice %arg3[%dma_start3A_441, %select_n3A, %multiple_of3A_440, %dma_start3A_448] : memref<1x16x2048x2048xf32, #tpu.memory_space<hbm>> -> memref<1x1x8x2048xf32, #tpu.memory_space<hbm>>
      %dma_start3A_450 = tpu.memref_squeeze %dma_start3A_449 : memref<1x1x8x2048xf32, #tpu.memory_space<hbm>> -> memref<8x2048xf32, #tpu.memory_space<hbm>>
      %dma_start3A_451 = arith.constant 0 : i32
      %dma_start3A_452 = arith.constant 640 : i32
      %dma_start3A_453 = tpu.memref_slice %arg5[%dma_start3A_451, %dma_start3A_452] : memref<8x2944xf32, #tpu.memory_space<vmem>> -> memref<8x2048xf32, #tpu.memory_space<vmem>>
      tpu.enqueue_dma source(%dma_start3A_453 : memref<8x2048xf32, #tpu.memory_space<vmem>>) target(%dma_start3A_450 : memref<8x2048xf32, #tpu.memory_space<hbm>>) target_semaphore(%arg8 : memref<!tpu.dma_semaphore, #tpu.memory_space<semaphore_mem>>)
      %add3A_454 = arith.addi %mul3A_32, %add3A_387 : i32
      %add3A_455 = arith.constant 48 : i32
      %add3A_456 = arith.addi %add3A_454, %add3A_455 : i32
      %mul3A_457 = arith.constant 8 : i32
      %mul3A_458 = arith.muli %mul3A_457, %add3A_456 : i32
      %multiple_of3A_459 = tpu.assume_multiple %mul3A_458, 8 : i32
      %dma_start3A_460 = arith.constant 0 : i32
      %dma_start3A_461 = arith.constant 0 : i32
      %dma_start3A_462 = arith.constant 512 : i32
      %dma_start3A_463 = tpu.memref_slice %arg5[%dma_start3A_461, %dma_start3A_462] : memref<8x2944xf32, #tpu.memory_space<vmem>> -> memref<8x2048xf32, #tpu.memory_space<vmem>>
      %dma_start3A_464 = arith.constant 0 : i32
      %dma_start3A_465 = tpu.memref_slice %arg3[%dma_start3A_460, %select_n3A, %multiple_of3A_459, %dma_start3A_464] : memref<1x16x2048x2048xf32, #tpu.memory_space<hbm>> -> memref<1x1x8x2048xf32, #tpu.memory_space<hbm>>
      %dma_start3A_466 = tpu.memref_squeeze %dma_start3A_465 : memref<1x1x8x2048xf32, #tpu.memory_space<hbm>> -> memref<8x2048xf32, #tpu.memory_space<hbm>>
      %dma_start3A_467 = arith.constant 0 : i32
      %dma_start3A_468 = tpu.memref_slice %arg3[%dma_start3A_460, %select_n3A, %multiple_of3A_459, %dma_start3A_467] : memref<1x16x2048x2048xf32, #tpu.memory_space<hbm>> -> memref<1x1x8x2048xf32, #tpu.memory_space<hbm>>
      %dma_start3A_469 = tpu.memref_squeeze %dma_start3A_468 : memref<1x1x8x2048xf32, #tpu.memory_space<hbm>> -> memref<8x2048xf32, #tpu.memory_space<hbm>>
      %dma_start3A_470 = arith.constant 0 : i32
      %dma_start3A_471 = arith.constant 512 : i32
      %dma_start3A_472 = tpu.memref_slice %arg5[%dma_start3A_470, %dma_start3A_471] : memref<8x2944xf32, #tpu.memory_space<vmem>> -> memref<8x2048xf32, #tpu.memory_space<vmem>>
      tpu.enqueue_dma source(%dma_start3A_472 : memref<8x2048xf32, #tpu.memory_space<vmem>>) target(%dma_start3A_469 : memref<8x2048xf32, #tpu.memory_space<hbm>>) target_semaphore(%arg8 : memref<!tpu.dma_semaphore, #tpu.memory_space<semaphore_mem>>)
      %add3A_473 = arith.addi %mul3A_32, %add3A_387 : i32
      %add3A_474 = arith.constant 64 : i32
      %add3A_475 = arith.addi %add3A_473, %add3A_474 : i32
      %mul3A_476 = arith.constant 8 : i32
      %mul3A_477 = arith.muli %mul3A_476, %add3A_475 : i32
      %multiple_of3A_478 = tpu.assume_multiple %mul3A_477, 8 : i32
      %dma_start3A_479 = arith.constant 0 : i32
      %dma_start3A_480 = arith.constant 0 : i32
      %dma_start3A_481 = arith.constant 384 : i32
      %dma_start3A_482 = tpu.memref_slice %arg5[%dma_start3A_480, %dma_start3A_481] : memref<8x2944xf32, #tpu.memory_space<vmem>> -> memref<8x2048xf32, #tpu.memory_space<vmem>>
      %dma_start3A_483 = arith.constant 0 : i32
      %dma_start3A_484 = tpu.memref_slice %arg3[%dma_start3A_479, %select_n3A, %multiple_of3A_478, %dma_start3A_483] : memref<1x16x2048x2048xf32, #tpu.memory_space<hbm>> -> memref<1x1x8x2048xf32, #tpu.memory_space<hbm>>
      %dma_start3A_485 = tpu.memref_squeeze %dma_start3A_484 : memref<1x1x8x2048xf32, #tpu.memory_space<hbm>> -> memref<8x2048xf32, #tpu.memory_space<hbm>>
      %dma_start3A_486 = arith.constant 0 : i32
      %dma_start3A_487 = tpu.memref_slice %arg3[%dma_start3A_479, %select_n3A, %multiple_of3A_478, %dma_start3A_486] : memref<1x16x2048x2048xf32, #tpu.memory_space<hbm>> -> memref<1x1x8x2048xf32, #tpu.memory_space<hbm>>
      %dma_start3A_488 = tpu.memref_squeeze %dma_start3A_487 : memref<1x1x8x2048xf32, #tpu.memory_space<hbm>> -> memref<8x2048xf32, #tpu.memory_space<hbm>>
      %dma_start3A_489 = arith.constant 0 : i32
      %dma_start3A_490 = arith.constant 384 : i32
      %dma_start3A_491 = tpu.memref_slice %arg5[%dma_start3A_489, %dma_start3A_490] : memref<8x2944xf32, #tpu.memory_space<vmem>> -> memref<8x2048xf32, #tpu.memory_space<vmem>>
      tpu.enqueue_dma source(%dma_start3A_491 : memref<8x2048xf32, #tpu.memory_space<vmem>>) target(%dma_start3A_488 : memref<8x2048xf32, #tpu.memory_space<hbm>>) target_semaphore(%arg8 : memref<!tpu.dma_semaphore, #tpu.memory_space<semaphore_mem>>)
      %add3A_492 = arith.addi %mul3A_32, %add3A_387 : i32
      %add3A_493 = arith.constant 80 : i32
      %add3A_494 = arith.addi %add3A_492, %add3A_493 : i32
      %mul3A_495 = arith.constant 8 : i32
      %mul3A_496 = arith.muli %mul3A_495, %add3A_494 : i32
      %multiple_of3A_497 = tpu.assume_multiple %mul3A_496, 8 : i32
      %dma_start3A_498 = arith.constant 0 : i32
      %dma_start3A_499 = arith.constant 0 : i32
      %dma_start3A_500 = arith.constant 256 : i32
      %dma_start3A_501 = tpu.memref_slice %arg5[%dma_start3A_499, %dma_start3A_500] : memref<8x2944xf32, #tpu.memory_space<vmem>> -> memref<8x2048xf32, #tpu.memory_space<vmem>>
      %dma_start3A_502 = arith.constant 0 : i32
      %dma_start3A_503 = tpu.memref_slice %arg3[%dma_start3A_498, %select_n3A, %multiple_of3A_497, %dma_start3A_502] : memref<1x16x2048x2048xf32, #tpu.memory_space<hbm>> -> memref<1x1x8x2048xf32, #tpu.memory_space<hbm>>
      %dma_start3A_504 = tpu.memref_squeeze %dma_start3A_503 : memref<1x1x8x2048xf32, #tpu.memory_space<hbm>> -> memref<8x2048xf32, #tpu.memory_space<hbm>>
      %dma_start3A_505 = arith.constant 0 : i32
      %dma_start3A_506 = tpu.memref_slice %arg3[%dma_start3A_498, %select_n3A, %multiple_of3A_497, %dma_start3A_505] : memref<1x16x2048x2048xf32, #tpu.memory_space<hbm>> -> memref<1x1x8x2048xf32, #tpu.memory_space<hbm>>
      %dma_start3A_507 = tpu.memref_squeeze %dma_start3A_506 : memref<1x1x8x2048xf32, #tpu.memory_space<hbm>> -> memref<8x2048xf32, #tpu.memory_space<hbm>>
      %dma_start3A_508 = arith.constant 0 : i32
      %dma_start3A_509 = arith.constant 256 : i32
      %dma_start3A_510 = tpu.memref_slice %arg5[%dma_start3A_508, %dma_start3A_509] : memref<8x2944xf32, #tpu.memory_space<vmem>> -> memref<8x2048xf32, #tpu.memory_space<vmem>>
      tpu.enqueue_dma source(%dma_start3A_510 : memref<8x2048xf32, #tpu.memory_space<vmem>>) target(%dma_start3A_507 : memref<8x2048xf32, #tpu.memory_space<hbm>>) target_semaphore(%arg8 : memref<!tpu.dma_semaphore, #tpu.memory_space<semaphore_mem>>)
      %add3A_511 = arith.addi %mul3A_32, %add3A_387 : i32
      %add3A_512 = arith.constant 96 : i32
      %add3A_513 = arith.addi %add3A_511, %add3A_512 : i32
      %mul3A_514 = arith.constant 8 : i32
      %mul3A_515 = arith.muli %mul3A_514, %add3A_513 : i32
      %multiple_of3A_516 = tpu.assume_multiple %mul3A_515, 8 : i32
      %dma_start3A_517 = arith.constant 0 : i32
      %dma_start3A_518 = arith.constant 0 : i32
      %dma_start3A_519 = arith.constant 128 : i32
      %dma_start3A_520 = tpu.memref_slice %arg5[%dma_start3A_518, %dma_start3A_519] : memref<8x2944xf32, #tpu.memory_space<vmem>> -> memref<8x2048xf32, #tpu.memory_space<vmem>>
      %dma_start3A_521 = arith.constant 0 : i32
      %dma_start3A_522 = tpu.memref_slice %arg3[%dma_start3A_517, %select_n3A, %multiple_of3A_516, %dma_start3A_521] : memref<1x16x2048x2048xf32, #tpu.memory_space<hbm>> -> memref<1x1x8x2048xf32, #tpu.memory_space<hbm>>
      %dma_start3A_523 = tpu.memref_squeeze %dma_start3A_522 : memref<1x1x8x2048xf32, #tpu.memory_space<hbm>> -> memref<8x2048xf32, #tpu.memory_space<hbm>>
      %dma_start3A_524 = arith.constant 0 : i32
      %dma_start3A_525 = tpu.memref_slice %arg3[%dma_start3A_517, %select_n3A, %multiple_of3A_516, %dma_start3A_524] : memref<1x16x2048x2048xf32, #tpu.memory_space<hbm>> -> memref<1x1x8x2048xf32, #tpu.memory_space<hbm>>
      %dma_start3A_526 = tpu.memref_squeeze %dma_start3A_525 : memref<1x1x8x2048xf32, #tpu.memory_space<hbm>> -> memref<8x2048xf32, #tpu.memory_space<hbm>>
      %dma_start3A_527 = arith.constant 0 : i32
      %dma_start3A_528 = arith.constant 128 : i32
      %dma_start3A_529 = tpu.memref_slice %arg5[%dma_start3A_527, %dma_start3A_528] : memref<8x2944xf32, #tpu.memory_space<vmem>> -> memref<8x2048xf32, #tpu.memory_space<vmem>>
      tpu.enqueue_dma source(%dma_start3A_529 : memref<8x2048xf32, #tpu.memory_space<vmem>>) target(%dma_start3A_526 : memref<8x2048xf32, #tpu.memory_space<hbm>>) target_semaphore(%arg8 : memref<!tpu.dma_semaphore, #tpu.memory_space<semaphore_mem>>)
      %add3A_530 = arith.addi %mul3A_32, %add3A_387 : i32
      %add3A_531 = arith.constant 112 : i32
      %add3A_532 = arith.addi %add3A_530, %add3A_531 : i32
      %mul3A_533 = arith.constant 8 : i32
      %mul3A_534 = arith.muli %mul3A_533, %add3A_532 : i32
      %multiple_of3A_535 = tpu.assume_multiple %mul3A_534, 8 : i32
      %dma_start3A_536 = arith.constant 0 : i32
      %dma_start3A_537 = arith.constant 0 : i32
      %dma_start3A_538 = arith.constant 0 : i32
      %dma_start3A_539 = tpu.memref_slice %arg5[%dma_start3A_537, %dma_start3A_538] : memref<8x2944xf32, #tpu.memory_space<vmem>> -> memref<8x2048xf32, #tpu.memory_space<vmem>>
      %dma_start3A_540 = arith.constant 0 : i32
      %dma_start3A_541 = tpu.memref_slice %arg3[%dma_start3A_536, %select_n3A, %multiple_of3A_535, %dma_start3A_540] : memref<1x16x2048x2048xf32, #tpu.memory_space<hbm>> -> memref<1x1x8x2048xf32, #tpu.memory_space<hbm>>
      %dma_start3A_542 = tpu.memref_squeeze %dma_start3A_541 : memref<1x1x8x2048xf32, #tpu.memory_space<hbm>> -> memref<8x2048xf32, #tpu.memory_space<hbm>>
      %dma_start3A_543 = arith.constant 0 : i32
      %dma_start3A_544 = tpu.memref_slice %arg3[%dma_start3A_536, %select_n3A, %multiple_of3A_535, %dma_start3A_543] : memref<1x16x2048x2048xf32, #tpu.memory_space<hbm>> -> memref<1x1x8x2048xf32, #tpu.memory_space<hbm>>
      %dma_start3A_545 = tpu.memref_squeeze %dma_start3A_544 : memref<1x1x8x2048xf32, #tpu.memory_space<hbm>> -> memref<8x2048xf32, #tpu.memory_space<hbm>>
      %dma_start3A_546 = arith.constant 0 : i32
      %dma_start3A_547 = arith.constant 0 : i32
      %dma_start3A_548 = tpu.memref_slice %arg5[%dma_start3A_546, %dma_start3A_547] : memref<8x2944xf32, #tpu.memory_space<vmem>> -> memref<8x2048xf32, #tpu.memory_space<vmem>>
      tpu.enqueue_dma source(%dma_start3A_548 : memref<8x2048xf32, #tpu.memory_space<vmem>>) target(%dma_start3A_545 : memref<8x2048xf32, #tpu.memory_space<hbm>>) target_semaphore(%arg8 : memref<!tpu.dma_semaphore, #tpu.memory_space<semaphore_mem>>)
      %dma_wait3A_549 = arith.constant 0 : i32
      %dma_wait3A_550 = arith.constant 0 : i32
      %dma_wait3A_551 = arith.constant 0 : i32
      %dma_wait3A_552 = arith.constant 0 : i32
      %dma_wait3A_553 = tpu.memref_slice %arg5[%dma_wait3A_551, %dma_wait3A_552] : memref<8x2944xf32, #tpu.memory_space<vmem>> -> memref<8x2048xf32, #tpu.memory_space<vmem>>
      %dma_wait3A_554 = arith.constant 0 : i32
      %dma_wait3A_555 = arith.constant 0 : i32
      %dma_wait3A_556 = tpu.memref_slice %arg3[%dma_wait3A_549, %dma_wait3A_550, %dma_wait3A_554, %dma_wait3A_555] : memref<1x16x2048x2048xf32, #tpu.memory_space<hbm>> -> memref<1x1x8x2048xf32, #tpu.memory_space<hbm>>
      %dma_wait3A_557 = tpu.memref_squeeze %dma_wait3A_556 : memref<1x1x8x2048xf32, #tpu.memory_space<hbm>> -> memref<8x2048xf32, #tpu.memory_space<hbm>>
      %dma_wait3A_558 = arith.constant 0 : i32
      %dma_wait3A_559 = arith.constant 0 : i32
      %dma_wait3A_560 = tpu.memref_slice %arg3[%dma_wait3A_549, %dma_wait3A_550, %dma_wait3A_558, %dma_wait3A_559] : memref<1x16x2048x2048xf32, #tpu.memory_space<hbm>> -> memref<1x1x8x2048xf32, #tpu.memory_space<hbm>>
      %dma_wait3A_561 = tpu.memref_squeeze %dma_wait3A_560 : memref<1x1x8x2048xf32, #tpu.memory_space<hbm>> -> memref<8x2048xf32, #tpu.memory_space<hbm>>
      %dma_wait3A_562 = arith.constant 0 : i32
      %dma_wait3A_563 = arith.constant 0 : i32
      %dma_wait3A_564 = tpu.memref_slice %arg5[%dma_wait3A_562, %dma_wait3A_563] : memref<8x2944xf32, #tpu.memory_space<vmem>> -> memref<8x2048xf32, #tpu.memory_space<vmem>>
      tpu.wait_dma2 semaphore(%arg8 : memref<!tpu.dma_semaphore, #tpu.memory_space<semaphore_mem>>) src(%dma_wait3A_564 : memref<8x2048xf32, #tpu.memory_space<vmem>>) dst(%dma_wait3A_561 : memref<8x2048xf32, #tpu.memory_space<hbm>>)
      %dma_wait3A_565 = arith.constant 0 : i32
      %dma_wait3A_566 = arith.constant 0 : i32
      %dma_wait3A_567 = arith.constant 0 : i32
      %dma_wait3A_568 = arith.constant 0 : i32
      %dma_wait3A_569 = tpu.memref_slice %arg5[%dma_wait3A_567, %dma_wait3A_568] : memref<8x2944xf32, #tpu.memory_space<vmem>> -> memref<8x2048xf32, #tpu.memory_space<vmem>>
      %dma_wait3A_570 = arith.constant 0 : i32
      %dma_wait3A_571 = arith.constant 0 : i32
      %dma_wait3A_572 = tpu.memref_slice %arg3[%dma_wait3A_565, %dma_wait3A_566, %dma_wait3A_570, %dma_wait3A_571] : memref<1x16x2048x2048xf32, #tpu.memory_space<hbm>> -> memref<1x1x8x2048xf32, #tpu.memory_space<hbm>>
      %dma_wait3A_573 = tpu.memref_squeeze %dma_wait3A_572 : memref<1x1x8x2048xf32, #tpu.memory_space<hbm>> -> memref<8x2048xf32, #tpu.memory_space<hbm>>
      %dma_wait3A_574 = arith.constant 0 : i32
      %dma_wait3A_575 = arith.constant 0 : i32
      %dma_wait3A_576 = tpu.memref_slice %arg3[%dma_wait3A_565, %dma_wait3A_566, %dma_wait3A_574, %dma_wait3A_575] : memref<1x16x2048x2048xf32, #tpu.memory_space<hbm>> -> memref<1x1x8x2048xf32, #tpu.memory_space<hbm>>
      %dma_wait3A_577 = tpu.memref_squeeze %dma_wait3A_576 : memref<1x1x8x2048xf32, #tpu.memory_space<hbm>> -> memref<8x2048xf32, #tpu.memory_space<hbm>>
      %dma_wait3A_578 = arith.constant 0 : i32
      %dma_wait3A_579 = arith.constant 0 : i32
      %dma_wait3A_580 = tpu.memref_slice %arg5[%dma_wait3A_578, %dma_wait3A_579] : memref<8x2944xf32, #tpu.memory_space<vmem>> -> memref<8x2048xf32, #tpu.memory_space<vmem>>
      tpu.wait_dma2 semaphore(%arg8 : memref<!tpu.dma_semaphore, #tpu.memory_space<semaphore_mem>>) src(%dma_wait3A_580 : memref<8x2048xf32, #tpu.memory_space<vmem>>) dst(%dma_wait3A_577 : memref<8x2048xf32, #tpu.memory_space<hbm>>)
      %dma_wait3A_581 = arith.constant 0 : i32
      %dma_wait3A_582 = arith.constant 0 : i32
      %dma_wait3A_583 = arith.constant 0 : i32
      %dma_wait3A_584 = arith.constant 0 : i32
      %dma_wait3A_585 = tpu.memref_slice %arg5[%dma_wait3A_583, %dma_wait3A_584] : memref<8x2944xf32, #tpu.memory_space<vmem>> -> memref<8x2048xf32, #tpu.memory_space<vmem>>
      %dma_wait3A_586 = arith.constant 0 : i32
      %dma_wait3A_587 = arith.constant 0 : i32
      %dma_wait3A_588 = tpu.memref_slice %arg3[%dma_wait3A_581, %dma_wait3A_582, %dma_wait3A_586, %dma_wait3A_587] : memref<1x16x2048x2048xf32, #tpu.memory_space<hbm>> -> memref<1x1x8x2048xf32, #tpu.memory_space<hbm>>
      %dma_wait3A_589 = tpu.memref_squeeze %dma_wait3A_588 : memref<1x1x8x2048xf32, #tpu.memory_space<hbm>> -> memref<8x2048xf32, #tpu.memory_space<hbm>>
      %dma_wait3A_590 = arith.constant 0 : i32
      %dma_wait3A_591 = arith.constant 0 : i32
      %dma_wait3A_592 = tpu.memref_slice %arg3[%dma_wait3A_581, %dma_wait3A_582, %dma_wait3A_590, %dma_wait3A_591] : memref<1x16x2048x2048xf32, #tpu.memory_space<hbm>> -> memref<1x1x8x2048xf32, #tpu.memory_space<hbm>>
      %dma_wait3A_593 = tpu.memref_squeeze %dma_wait3A_592 : memref<1x1x8x2048xf32, #tpu.memory_space<hbm>> -> memref<8x2048xf32, #tpu.memory_space<hbm>>
      %dma_wait3A_594 = arith.constant 0 : i32
      %dma_wait3A_595 = arith.constant 0 : i32
      %dma_wait3A_596 = tpu.memref_slice %arg5[%dma_wait3A_594, %dma_wait3A_595] : memref<8x2944xf32, #tpu.memory_space<vmem>> -> memref<8x2048xf32, #tpu.memory_space<vmem>>
      tpu.wait_dma2 semaphore(%arg8 : memref<!tpu.dma_semaphore, #tpu.memory_space<semaphore_mem>>) src(%dma_wait3A_596 : memref<8x2048xf32, #tpu.memory_space<vmem>>) dst(%dma_wait3A_593 : memref<8x2048xf32, #tpu.memory_space<hbm>>)
      %dma_wait3A_597 = arith.constant 0 : i32
      %dma_wait3A_598 = arith.constant 0 : i32
      %dma_wait3A_599 = arith.constant 0 : i32
      %dma_wait3A_600 = arith.constant 0 : i32
      %dma_wait3A_601 = tpu.memref_slice %arg5[%dma_wait3A_599, %dma_wait3A_600] : memref<8x2944xf32, #tpu.memory_space<vmem>> -> memref<8x2048xf32, #tpu.memory_space<vmem>>
      %dma_wait3A_602 = arith.constant 0 : i32
      %dma_wait3A_603 = arith.constant 0 : i32
      %dma_wait3A_604 = tpu.memref_slice %arg3[%dma_wait3A_597, %dma_wait3A_598, %dma_wait3A_602, %dma_wait3A_603] : memref<1x16x2048x2048xf32, #tpu.memory_space<hbm>> -> memref<1x1x8x2048xf32, #tpu.memory_space<hbm>>
      %dma_wait3A_605 = tpu.memref_squeeze %dma_wait3A_604 : memref<1x1x8x2048xf32, #tpu.memory_space<hbm>> -> memref<8x2048xf32, #tpu.memory_space<hbm>>
      %dma_wait3A_606 = arith.constant 0 : i32
      %dma_wait3A_607 = arith.constant 0 : i32
      %dma_wait3A_608 = tpu.memref_slice %arg3[%dma_wait3A_597, %dma_wait3A_598, %dma_wait3A_606, %dma_wait3A_607] : memref<1x16x2048x2048xf32, #tpu.memory_space<hbm>> -> memref<1x1x8x2048xf32, #tpu.memory_space<hbm>>
      %dma_wait3A_609 = tpu.memref_squeeze %dma_wait3A_608 : memref<1x1x8x2048xf32, #tpu.memory_space<hbm>> -> memref<8x2048xf32, #tpu.memory_space<hbm>>
      %dma_wait3A_610 = arith.constant 0 : i32
      %dma_wait3A_611 = arith.constant 0 : i32
      %dma_wait3A_612 = tpu.memref_slice %arg5[%dma_wait3A_610, %dma_wait3A_611] : memref<8x2944xf32, #tpu.memory_space<vmem>> -> memref<8x2048xf32, #tpu.memory_space<vmem>>
      tpu.wait_dma2 semaphore(%arg8 : memref<!tpu.dma_semaphore, #tpu.memory_space<semaphore_mem>>) src(%dma_wait3A_612 : memref<8x2048xf32, #tpu.memory_space<vmem>>) dst(%dma_wait3A_609 : memref<8x2048xf32, #tpu.memory_space<hbm>>)
      %dma_wait3A_613 = arith.constant 0 : i32
      %dma_wait3A_614 = arith.constant 0 : i32
      %dma_wait3A_615 = arith.constant 0 : i32
      %dma_wait3A_616 = arith.constant 0 : i32
      %dma_wait3A_617 = tpu.memref_slice %arg5[%dma_wait3A_615, %dma_wait3A_616] : memref<8x2944xf32, #tpu.memory_space<vmem>> -> memref<8x2048xf32, #tpu.memory_space<vmem>>
      %dma_wait3A_618 = arith.constant 0 : i32
      %dma_wait3A_619 = arith.constant 0 : i32
      %dma_wait3A_620 = tpu.memref_slice %arg3[%dma_wait3A_613, %dma_wait3A_614, %dma_wait3A_618, %dma_wait3A_619] : memref<1x16x2048x2048xf32, #tpu.memory_space<hbm>> -> memref<1x1x8x2048xf32, #tpu.memory_space<hbm>>
      %dma_wait3A_621 = tpu.memref_squeeze %dma_wait3A_620 : memref<1x1x8x2048xf32, #tpu.memory_space<hbm>> -> memref<8x2048xf32, #tpu.memory_space<hbm>>
      %dma_wait3A_622 = arith.constant 0 : i32
      %dma_wait3A_623 = arith.constant 0 : i32
      %dma_wait3A_624 = tpu.memref_slice %arg3[%dma_wait3A_613, %dma_wait3A_614, %dma_wait3A_622, %dma_wait3A_623] : memref<1x16x2048x2048xf32, #tpu.memory_space<hbm>> -> memref<1x1x8x2048xf32, #tpu.memory_space<hbm>>
      %dma_wait3A_625 = tpu.memref_squeeze %dma_wait3A_624 : memref<1x1x8x2048xf32, #tpu.memory_space<hbm>> -> memref<8x2048xf32, #tpu.memory_space<hbm>>
      %dma_wait3A_626 = arith.constant 0 : i32
      %dma_wait3A_627 = arith.constant 0 : i32
      %dma_wait3A_628 = tpu.memref_slice %arg5[%dma_wait3A_626, %dma_wait3A_627] : memref<8x2944xf32, #tpu.memory_space<vmem>> -> memref<8x2048xf32, #tpu.memory_space<vmem>>
      tpu.wait_dma2 semaphore(%arg8 : memref<!tpu.dma_semaphore, #tpu.memory_space<semaphore_mem>>) src(%dma_wait3A_628 : memref<8x2048xf32, #tpu.memory_space<vmem>>) dst(%dma_wait3A_625 : memref<8x2048xf32, #tpu.memory_space<hbm>>)
      %dma_wait3A_629 = arith.constant 0 : i32
      %dma_wait3A_630 = arith.constant 0 : i32
      %dma_wait3A_631 = arith.constant 0 : i32
      %dma_wait3A_632 = arith.constant 0 : i32
      %dma_wait3A_633 = tpu.memref_slice %arg5[%dma_wait3A_631, %dma_wait3A_632] : memref<8x2944xf32, #tpu.memory_space<vmem>> -> memref<8x2048xf32, #tpu.memory_space<vmem>>
      %dma_wait3A_634 = arith.constant 0 : i32
      %dma_wait3A_635 = arith.constant 0 : i32
      %dma_wait3A_636 = tpu.memref_slice %arg3[%dma_wait3A_629, %dma_wait3A_630, %dma_wait3A_634, %dma_wait3A_635] : memref<1x16x2048x2048xf32, #tpu.memory_space<hbm>> -> memref<1x1x8x2048xf32, #tpu.memory_space<hbm>>
      %dma_wait3A_637 = tpu.memref_squeeze %dma_wait3A_636 : memref<1x1x8x2048xf32, #tpu.memory_space<hbm>> -> memref<8x2048xf32, #tpu.memory_space<hbm>>
      %dma_wait3A_638 = arith.constant 0 : i32
      %dma_wait3A_639 = arith.constant 0 : i32
      %dma_wait3A_640 = tpu.memref_slice %arg3[%dma_wait3A_629, %dma_wait3A_630, %dma_wait3A_638, %dma_wait3A_639] : memref<1x16x2048x2048xf32, #tpu.memory_space<hbm>> -> memref<1x1x8x2048xf32, #tpu.memory_space<hbm>>
      %dma_wait3A_641 = tpu.memref_squeeze %dma_wait3A_640 : memref<1x1x8x2048xf32, #tpu.memory_space<hbm>> -> memref<8x2048xf32, #tpu.memory_space<hbm>>
      %dma_wait3A_642 = arith.constant 0 : i32
      %dma_wait3A_643 = arith.constant 0 : i32
      %dma_wait3A_644 = tpu.memref_slice %arg5[%dma_wait3A_642, %dma_wait3A_643] : memref<8x2944xf32, #tpu.memory_space<vmem>> -> memref<8x2048xf32, #tpu.memory_space<vmem>>
      tpu.wait_dma2 semaphore(%arg8 : memref<!tpu.dma_semaphore, #tpu.memory_space<semaphore_mem>>) src(%dma_wait3A_644 : memref<8x2048xf32, #tpu.memory_space<vmem>>) dst(%dma_wait3A_641 : memref<8x2048xf32, #tpu.memory_space<hbm>>)
      %dma_wait3A_645 = arith.constant 0 : i32
      %dma_wait3A_646 = arith.constant 0 : i32
      %dma_wait3A_647 = arith.constant 0 : i32
      %dma_wait3A_648 = arith.constant 0 : i32
      %dma_wait3A_649 = tpu.memref_slice %arg5[%dma_wait3A_647, %dma_wait3A_648] : memref<8x2944xf32, #tpu.memory_space<vmem>> -> memref<8x2048xf32, #tpu.memory_space<vmem>>
      %dma_wait3A_650 = arith.constant 0 : i32
      %dma_wait3A_651 = arith.constant 0 : i32
      %dma_wait3A_652 = tpu.memref_slice %arg3[%dma_wait3A_645, %dma_wait3A_646, %dma_wait3A_650, %dma_wait3A_651] : memref<1x16x2048x2048xf32, #tpu.memory_space<hbm>> -> memref<1x1x8x2048xf32, #tpu.memory_space<hbm>>
      %dma_wait3A_653 = tpu.memref_squeeze %dma_wait3A_652 : memref<1x1x8x2048xf32, #tpu.memory_space<hbm>> -> memref<8x2048xf32, #tpu.memory_space<hbm>>
      %dma_wait3A_654 = arith.constant 0 : i32
      %dma_wait3A_655 = arith.constant 0 : i32
      %dma_wait3A_656 = tpu.memref_slice %arg3[%dma_wait3A_645, %dma_wait3A_646, %dma_wait3A_654, %dma_wait3A_655] : memref<1x16x2048x2048xf32, #tpu.memory_space<hbm>> -> memref<1x1x8x2048xf32, #tpu.memory_space<hbm>>
      %dma_wait3A_657 = tpu.memref_squeeze %dma_wait3A_656 : memref<1x1x8x2048xf32, #tpu.memory_space<hbm>> -> memref<8x2048xf32, #tpu.memory_space<hbm>>
      %dma_wait3A_658 = arith.constant 0 : i32
      %dma_wait3A_659 = arith.constant 0 : i32
      %dma_wait3A_660 = tpu.memref_slice %arg5[%dma_wait3A_658, %dma_wait3A_659] : memref<8x2944xf32, #tpu.memory_space<vmem>> -> memref<8x2048xf32, #tpu.memory_space<vmem>>
      tpu.wait_dma2 semaphore(%arg8 : memref<!tpu.dma_semaphore, #tpu.memory_space<semaphore_mem>>) src(%dma_wait3A_660 : memref<8x2048xf32, #tpu.memory_space<vmem>>) dst(%dma_wait3A_657 : memref<8x2048xf32, #tpu.memory_space<hbm>>)
      %dma_wait3A_661 = arith.constant 0 : i32
      %dma_wait3A_662 = arith.constant 0 : i32
      %dma_wait3A_663 = arith.constant 0 : i32
      %dma_wait3A_664 = arith.constant 0 : i32
      %dma_wait3A_665 = tpu.memref_slice %arg5[%dma_wait3A_663, %dma_wait3A_664] : memref<8x2944xf32, #tpu.memory_space<vmem>> -> memref<8x2048xf32, #tpu.memory_space<vmem>>
      %dma_wait3A_666 = arith.constant 0 : i32
      %dma_wait3A_667 = arith.constant 0 : i32
      %dma_wait3A_668 = tpu.memref_slice %arg3[%dma_wait3A_661, %dma_wait3A_662, %dma_wait3A_666, %dma_wait3A_667] : memref<1x16x2048x2048xf32, #tpu.memory_space<hbm>> -> memref<1x1x8x2048xf32, #tpu.memory_space<hbm>>
      %dma_wait3A_669 = tpu.memref_squeeze %dma_wait3A_668 : memref<1x1x8x2048xf32, #tpu.memory_space<hbm>> -> memref<8x2048xf32, #tpu.memory_space<hbm>>
      %dma_wait3A_670 = arith.constant 0 : i32
      %dma_wait3A_671 = arith.constant 0 : i32
      %dma_wait3A_672 = tpu.memref_slice %arg3[%dma_wait3A_661, %dma_wait3A_662, %dma_wait3A_670, %dma_wait3A_671] : memref<1x16x2048x2048xf32, #tpu.memory_space<hbm>> -> memref<1x1x8x2048xf32, #tpu.memory_space<hbm>>
      %dma_wait3A_673 = tpu.memref_squeeze %dma_wait3A_672 : memref<1x1x8x2048xf32, #tpu.memory_space<hbm>> -> memref<8x2048xf32, #tpu.memory_space<hbm>>
      %dma_wait3A_674 = arith.constant 0 : i32
      %dma_wait3A_675 = arith.constant 0 : i32
      %dma_wait3A_676 = tpu.memref_slice %arg5[%dma_wait3A_674, %dma_wait3A_675] : memref<8x2944xf32, #tpu.memory_space<vmem>> -> memref<8x2048xf32, #tpu.memory_space<vmem>>
      tpu.wait_dma2 semaphore(%arg8 : memref<!tpu.dma_semaphore, #tpu.memory_space<semaphore_mem>>) src(%dma_wait3A_676 : memref<8x2048xf32, #tpu.memory_space<vmem>>) dst(%dma_wait3A_673 : memref<8x2048xf32, #tpu.memory_space<hbm>>)
      %add3A_677 = arith.constant 2 : i32
      %add3A_678 = arith.addi %add3A_387, %add3A_677 : i32
      %rem3A_679 = arith.constant 16 : i32
      %rem3A_680 = arith.remsi %add3A_678, %rem3A_679 : i32
      %mul3A_681 = arith.constant 8 : i32
      %mul3A_682 = arith.muli %mul3A_681, %rem3A_680 : i32
      %multiple_of3A_683 = tpu.assume_multiple %mul3A_682, 8 : i32
      %multiple_of3A_684 = tpu.assume_multiple %mul3A_36, 128 : i32
      %dma_start3A_685 = tpu.memref_slice %arg2[%select_n3A, %multiple_of3A_683, %multiple_of3A_684] : memref<16x128x3968xf32, #tpu.memory_space<hbm>> -> memref<1x8x2944xf32, #tpu.memory_space<hbm>>
      %dma_start3A_686 = tpu.memref_squeeze %dma_start3A_685 : memref<1x8x2944xf32, #tpu.memory_space<hbm>> -> memref<8x2944xf32, #tpu.memory_space<hbm>>
      %dma_start3A_687 = tpu.memref_slice %arg2[%select_n3A, %multiple_of3A_683, %multiple_of3A_684] : memref<16x128x3968xf32, #tpu.memory_space<hbm>> -> memref<1x8x2944xf32, #tpu.memory_space<hbm>>
      %dma_start3A_688 = tpu.memref_squeeze %dma_start3A_687 : memref<1x8x2944xf32, #tpu.memory_space<hbm>> -> memref<8x2944xf32, #tpu.memory_space<hbm>>
      tpu.enqueue_dma source(%dma_start3A_688 : memref<8x2944xf32, #tpu.memory_space<hbm>>) target(%arg5 : memref<8x2944xf32, #tpu.memory_space<vmem>>) target_semaphore(%arg7 : memref<!tpu.dma_semaphore, #tpu.memory_space<semaphore_mem>>)
    }
    %scan3A_60 = arith.constant 8 : i32
    %dma_wait3A = arith.constant 0 : i32
    %dma_wait3A_61 = arith.constant 0 : i32
    %dma_wait3A_62 = arith.constant 0 : i32
    %dma_wait3A_63 = tpu.memref_slice %arg2[%dma_wait3A, %dma_wait3A_61, %dma_wait3A_62] : memref<16x128x3968xf32, #tpu.memory_space<hbm>> -> memref<1x8x2944xf32, #tpu.memory_space<hbm>>
    %dma_wait3A_64 = tpu.memref_squeeze %dma_wait3A_63 : memref<1x8x2944xf32, #tpu.memory_space<hbm>> -> memref<8x2944xf32, #tpu.memory_space<hbm>>
    %dma_wait3A_65 = arith.constant 0 : i32
    %dma_wait3A_66 = arith.constant 0 : i32
    %dma_wait3A_67 = tpu.memref_slice %arg2[%dma_wait3A, %dma_wait3A_65, %dma_wait3A_66] : memref<16x128x3968xf32, #tpu.memory_space<hbm>> -> memref<1x8x2944xf32, #tpu.memory_space<hbm>>
    %dma_wait3A_68 = tpu.memref_squeeze %dma_wait3A_67 : memref<1x8x2944xf32, #tpu.memory_space<hbm>> -> memref<8x2944xf32, #tpu.memory_space<hbm>>
    tpu.wait_dma2 semaphore(%arg6 : memref<!tpu.dma_semaphore, #tpu.memory_space<semaphore_mem>>) src(%dma_wait3A_68 : memref<8x2944xf32, #tpu.memory_space<hbm>>) dst(%arg4 : memref<8x2944xf32, #tpu.memory_space<vmem>>)
    %dma_wait3A_69 = arith.constant 0 : i32
    %dma_wait3A_70 = arith.constant 0 : i32
    %dma_wait3A_71 = arith.constant 0 : i32
    %dma_wait3A_72 = tpu.memref_slice %arg2[%dma_wait3A_69, %dma_wait3A_70, %dma_wait3A_71] : memref<16x128x3968xf32, #tpu.memory_space<hbm>> -> memref<1x8x2944xf32, #tpu.memory_space<hbm>>
    %dma_wait3A_73 = tpu.memref_squeeze %dma_wait3A_72 : memref<1x8x2944xf32, #tpu.memory_space<hbm>> -> memref<8x2944xf32, #tpu.memory_space<hbm>>
    %dma_wait3A_74 = arith.constant 0 : i32
    %dma_wait3A_75 = arith.constant 0 : i32
    %dma_wait3A_76 = tpu.memref_slice %arg2[%dma_wait3A_69, %dma_wait3A_74, %dma_wait3A_75] : memref<16x128x3968xf32, #tpu.memory_space<hbm>> -> memref<1x8x2944xf32, #tpu.memory_space<hbm>>
    %dma_wait3A_77 = tpu.memref_squeeze %dma_wait3A_76 : memref<1x8x2944xf32, #tpu.memory_space<hbm>> -> memref<8x2944xf32, #tpu.memory_space<hbm>>
    tpu.wait_dma2 semaphore(%arg7 : memref<!tpu.dma_semaphore, #tpu.memory_space<semaphore_mem>>) src(%dma_wait3A_77 : memref<8x2944xf32, #tpu.memory_space<hbm>>) dst(%arg5 : memref<8x2944xf32, #tpu.memory_space<vmem>>)
    return
  }
}

module attributes {stable_mosaic.version = 14 : i64} {
  func.func @_tc_build(%arg0: i32, %arg1: memref<128x4096xf32, #tpu.memory_space<vmem>>, %arg2: memref<16x8x3968xf32, #tpu.memory_space<vmem>>) attributes {dimension_semantics = [#tpu.dimension_semantics<arbitrary>], iteration_bounds = array<i64: 16>, scalar_prefetch = 0 : i64, scratch_operands = 0 : i64, tpu.core_type = #tpu.core_type<tc>, window_params = [{pipeline_mode = #tpu.pipeline_mode<synchronous>, transform_indices = @transform_0, window_bounds = array<i64: 128, 4096>}, {transform_indices = @transform_1, window_bounds = array<i64: 16, 8, 3968>}]} {
    %get3A = arith.constant 0 : index
    %get3A_0 = arith.constant 0 : index
    %get3A_1 = vector.load %arg1[%get3A, %get3A_0] : memref<128x4096xf32, #tpu.memory_space<vmem>>, vector<128x4096xf32>
    %mul3A = arith.constant 8 : i32
    %mul3A_2 = arith.muli %mul3A, %arg0 : i32
    %sub3A = arith.constant 120 : i32
    %sub3A_3 = arith.subi %mul3A_2, %sub3A : i32
    %roll3A = tpu.dynamic_rotate %get3A_1 by %sub3A_3 dim 1 : vector<128x4096xf32>, i32 -> vector<128x4096xf32>
    %slice3A = vector.extract_strided_slice %roll3A {offsets = [0, 0], sizes = [128, 3968], strides = [1, 1]} : vector<128x4096xf32> to vector<128x3968xf32>
    %reshape3A = vector.shape_cast %slice3A : vector<128x3968xf32> to vector<16x8x3968xf32>
    %swap3A = arith.constant 0 : index
    %swap3A_4 = arith.constant 0 : index
    %swap3A_5 = arith.constant 0 : index
    %swap3A_6 = vector.load %arg2[%swap3A, %swap3A_4, %swap3A_5] : memref<16x8x3968xf32, #tpu.memory_space<vmem>>, vector<16x8x3968xf32>
    tpu.vector_store %arg2[%swap3A, %swap3A_4, %swap3A_5], %reshape3A {strides = array<i32>} : memref<16x8x3968xf32, #tpu.memory_space<vmem>>, vector<16x8x3968xf32>,
    return
  }
  func.func @transform_0(%arg0: i32) -> (i32, i32) {
    %c0_i32 = arith.constant 0 : i32
    %c0_i32_0 = arith.constant 0 : i32
    %c0_i32_1 = arith.constant 0 : i32
    return %c0_i32, %c0_i32_0 : i32, i32
  }
  func.func @transform_1(%arg0: i32) -> (i32, i32, i32) {
    %c0_i32 = arith.constant 0 : i32
    %c0_i32_0 = arith.constant 0 : i32
    %c0_i32_1 = arith.constant 0 : i32
    return %c0_i32, %arg0, %c0_i32_0 : i32, i32, i32
  }
}

</mosaic_0001>

<sc_bundles>
// kernel: _run.4.cloned.1.call-start
scs
__scs_entry_jumppad:
0x0: {  	(pc) =	sbr.rel $0x88, $3  }
0x1: {  	(tag) =	ssettag $0x0;
	lr =	simm.s32 $0x1  }
0x2: {  	[smem:$0x3FA0] =	sst lr;
	_ =	strace $0xD0000000  }
0x3: {  	_ = 	snop  }
0x4: {  	_ = 	snop  }
0x5: {  	_ = 	snop  }
0x6: {  	_ = 	snop  }
0x7: {  	_ = 	snop  }
__scs_overlays_trampoline_lowered:
0x8: {  	[smem:$0x3FAF] =	sst s0  }
0x9: {  	[smem:$0x3FB0] =	sst s1  }
0xa: {  	[smem:$0x3FB1] =	sst s2  }
0xb: {  	[smem:$0x3FB2] =	sst s3  }
0xc: {  	[smem:$0x3FB3] =	sst s4  }
0xd: {  	[smem:$0x3FB4] =	sst s5  }
0xe: {  	[smem:$0x3FB5] =	sst s6  }
0xf: {  	[smem:$0x3FB6] =	sst s7  }
0x10: {  	[smem:$0x3FB7] =	sst s8  }
0x11: {  	[smem:$0x3FB8] =	sst s9;
	s0 =	simm.s32 @!p0 $0x0  }
0x12: {  	s1 =	sld [smem:$0x3F9E];
	s0 =	simm.s32 @p0 $0x1  }
0x13: {  	[smem:$0x3FB9] =	sst s0;
	s0 =	simm.s32 @!p1 $0x0  }
0x14: {  	s2 =	sld [smem:$0x3F9D];
	s0 =	simm.s32 @p1 $0x1  }
0x15: {  	[smem:$0x3FBA] =	sst s0;
	s0 =	simm.s32 @!p2 $0x0  }
0x16: {  	s3 =	sld [smem:$0x3FDB];
	s0 =	simm.s32 @p2 $0x1  }
0x17: {  	s4 =	simm.s32 $0x1BF5;
	[smem:$0x3FBC] =	sst s0  }
0x18: {  	s0 =	sld [smem:$0x3F9F];
	_ =	swait.ge [sflag:s4], $0x0  }
0x19: {  	s7 =	sld [smem:$0x3FA0]  }
0x1a: {  	s8 =	sadd.s32 $0xFFFFE003, lr  }
0x1b: {  	s9 =	sadd.s32 $0xFFFFFEF7, lr;
	s5 =	simm.s32 $0xFFFFFFFF;
	p2 =	slt.u32 s8, $0xFFFFF086  }
0x1c: {  	p1 =	slt.u32 s9, $0xF7A;
	s5 =	simm.s32 @!p2 $0x0  }
0x1d: {  	s5 =	simm.s32 @p1 $0x1;
	p0 =	seq.s32 s7, s2  }
0x1e: {  	s7 =	smul.u32 @!p0 $0xF7A, s2;
	p2 =	seq.s32 @!p0 s5, $0x0  }
0x1f: {  	s9 =	smul.u32 $0xF7A, s1;
	s8 =	simm.s32 @!p0 $0x1BF5;
	p2 =	por !p2, p0  }
0x20: {  	[sflag:s8] =	ssyncset.s32 @!p0 $0xFFFFF086;
	s6 =	sadd.s32 @!p0 s3, s7;
	s7 =	simm.s32 @!p0 $0x108  }
0x21: {  	s3 =	sadd.s32 s3, s9;
	s6 =	sadd.s32 @!p0 $0x88, s6;
	s7 =	simm.s32 @p2 $0x1082  }
0x22: {  	[simem:s7], [sflag:s8] =	dma.local @!p0 [hbm:s6], $0xF7A  }
0x23: {  	s9 =	sor.u32 $0xD0000000, s2;
	s6 =	simm.s32 $0x108;
	_ =	swait.ge @!p0 [sflag:s8], $0x0  }
0x24: {  	s3 =	sadd.s32 $0x88, s3;
	s6 =	simm.s32 @!p1 $0x1082;
	[sflag:s4] =	ssyncset.s32 $0xFFFFF086  }
0x25: {  	[simem:s6], [sflag:s4] =	dma.local [hbm:s3], $0xF7A  }
0x26: {  	[smem:$0x3FA0] =	sst s1;
	(tag) =	ssettag s2;
	_ =	strace s9  }
0x27: {  	s1 =	sld [smem:$0x3FB0]  }
0x28: {  	s2 =	sld [smem:$0x3FB1]  }
0x29: {  	s4 =	sld [smem:$0x3FB3]  }
0x2a: {  	p0 =	seq.s32 s5, $0x0;
	s5 =	sld [smem:$0x3FB4]  }
0x2b: {  	s6 =	sld [smem:$0x3FB5]  }
0x2c: {  	s7 =	sld [smem:$0x3FB6]  }
0x2d: {  	s3 =	simm.s32 $0x108;
	s8 =	sld [smem:$0x3FB7]  }
0x2e: {  	s3 =	simm.s32 @!p0 $0x1082;
	s9 =	sld [smem:$0x3FB8]  }
0x2f: {  	lr =	sadd.s32 s0, s3;
	s0 =	sld [smem:$0x3FAF]  }
0x30: {  	s3 =	sld [smem:$0x3FB2]  }
0x31: {  	[smem:$0x3FBB] =	sst s10  }
0x32: {  	s10 =	sld [smem:$0x3FB9];
	_ =	sdelay $0x3  }
0x33: {  	p0 =	seq.s32 s10, $0x1;
	s10 =	sld [smem:$0x3FBB];
	_ =	sdelay $0x3  }
0x34: {  	[smem:$0x3FBB] =	sst s10  }
0x35: {  	s10 =	sld [smem:$0x3FBA];
	_ =	sdelay $0x3  }
0x36: {  	p1 =	seq.s32 s10, $0x1;
	s10 =	sld [smem:$0x3FBB];
	_ =	sdelay $0x3  }
0x37: {  	[smem:$0x3FBB] =	sst s10  }
0x38: {  	s10 =	sld [smem:$0x3FBC]  }
0x39: {  	_ = 	snop;
	(pc) =	sbr.ind lr, $3  }
0x3a: {  	_ = 	snop  }
0x3b: {  	_ = 	snop  }
0x3c: {  	p2 =	seq.s32 s10, $0x1;
	s10 =	sld [smem:$0x3FBB]  }
0x3d: {  	_ =	shalt  }
0x3e: {  	_ =	shalt  }
0x3f: {  	_ =	shalt  }
0x40: {  	_ =	shalt  }
0x41: {  	_ =	shalt  }
0x42: {  	_ =	shalt  }
0x43: {  	_ =	shalt  }
0x44: {  	_ =	shalt  }
0x45: {  	_ =	shalt  }
0x46: {  	_ =	shalt  }
0x47: {  	_ =	shalt  }
0x48: {  	_ =	shalt  }
0x49: {  	_ =	shalt  }
0x4a: {  	_ =	shalt  }
0x4b: {  	_ =	shalt  }
0x4c: {  	_ =	shalt  }
0x4d: {  	_ =	shalt  }
0x4e: {  	_ =	shalt  }
0x4f: {  	_ =	shalt  }
0x50: {  	_ =	shalt  }
0x51: {  	_ =	shalt  }
0x52: {  	_ =	shalt  }
0x53: {  	_ =	shalt  }
0x54: {  	_ =	shalt  }
0x55: {  	_ =	shalt  }
0x56: {  	_ =	shalt  }
0x57: {  	_ =	shalt  }
0x58: {  	_ =	shalt  }
0x59: {  	_ =	shalt  }
0x5a: {  	_ =	shalt  }
0x5b: {  	_ =	shalt  }
0x5c: {  	_ =	shalt  }
0x5d: {  	_ =	shalt  }
0x5e: {  	_ =	shalt  }
0x5f: {  	_ =	shalt  }
0x60: {  	_ =	shalt  }
0x61: {  	_ =	shalt  }
0x62: {  	_ =	shalt  }
0x63: {  	_ =	shalt  }
0x64: {  	_ =	shalt  }
0x65: {  	_ =	shalt  }
0x66: {  	_ =	shalt  }
0x67: {  	_ =	shalt  }
0x68: {  	_ =	shalt  }
0x69: {  	_ =	shalt  }
0x6a: {  	_ =	shalt  }
0x6b: {  	_ =	shalt  }
0x6c: {  	_ =	shalt  }
0x6d: {  	_ =	shalt  }
0x6e: {  	_ =	shalt  }
0x6f: {  	_ =	shalt  }
0x70: {  	_ =	shalt  }
0x71: {  	_ =	shalt  }
0x72: {  	_ =	shalt  }
0x73: {  	_ =	shalt  }
0x74: {  	_ =	shalt  }
0x75: {  	_ =	shalt  }
0x76: {  	_ =	shalt  }
0x77: {  	_ =	shalt  }
0x78: {  	_ =	shalt  }
0x79: {  	_ =	shalt  }
0x7a: {  	_ =	shalt  }
0x7b: {  	_ =	shalt  }
0x7c: {  	_ =	shalt  }
0x7d: {  	_ =	shalt  }
0x7e: {  	_ =	shalt  }
0x7f: {  	_ =	shalt  }
0x80: {  	_ =	shalt  }
0x81: {  	_ =	shalt  }
0x82: {  	_ =	shalt  }
0x83: {  	_ =	shalt  }
0x84: {  	_ =	shalt  }
0x85: {  	_ =	shalt  }
0x86: {  	_ =	shalt  }
0x87: {  	_ =	shalt  }
.Lfunc_end0:
.L_simem_size_0:
called_computation_lowered:
.L_overlay_start_0:
0x88: {  	s2 =	sld [smem:$0x3FD9]  }
0x89: {  	s3 =	sld [smem:$0x3FFE];
	_ =	sdelay $0x1  }
0x8a: {  	s1 =	srdreg.scid  }
0x8b: {  	s0 =	sand.u32 $0x1, s1  }
0x8c: {  	s17 =	sshll.u32 s0, $0xA;
	s2 =	sadd.s32 s3, s2  }
0x8d: {  	s2 =	sadd.s32 s2, s17  }
0x8e: {  	[smem:$0x3FC7] =	sst s2  }
0x8f: {  	_ = 	snop  }
0x90: {  	s2 =	sld [smem:$0x3FD0];
	(tm) =	ssettm $0x1  }
0x91: {  	s18 =	sld [smem:$0x3FFB];
	_ =	sdelay $0x3  }
0x92: {  	_ =	strace s18  }
0x93: {  	s3 =	sld [smem:$0x3FFC];
	_ =	sdelay $0x3  }
0x94: {  	_ =	strace s3  }
0x95: {  	s3 =	sld [smem:$0x3FFD];
	_ =	sdelay $0x3  }
0x96: {  	_ =	strace s3  }
0x97: {  	_ =	strace $0x8FFFFFFF  }
0x98: {  	s19 =	sld [smem:$0x3FDB];
	_ =	sdelay $0x1  }
0x99: {  	s4 =	simm.s32 $_scs_section_size  }
0x9a: {  	s5 =	simm.s32 $_size__tile_overlayer_lowered;
	s6 =	simm.s32 $_tile_overlayer_lowered  }
0x9b: {  	s22 =	simm.s32 $0x1BFF;
	s21 =	sshll.u32 s6, $0x1;
	s3 =	sadd.s32 s4, s19  }
0x9c: {  	s7 =	simm.s32 $0x0;
	s20 =	sshll.u32 s5, $0x1;
	s5 =	sadd.s32 s21, s3  }
0x9d: {  	[timem:s7], [sflag:s22] =	dma.local [hbm:s5], s20  }
0x9e: {  	_ =	swait.ge [sflag:s22], s20  }
0x9f: {  	s4 =	ssub.s32 $0x0, s20;
	[sflag:s22] =	ssyncset.done $0x0  }
0xa0: {  	[sflag:s22] =	ssyncadd.s32 s4;
	_ =	sdelay $0x1  }
0xa1: {  	s23 =	simm.s32 $0x1B8B  }
0xa2: {  	_ =	swait.ge [sflag:s23], $0x1  }
0xa3: {  	[sflag:s23] =	ssyncset.done $0x0  }
0xa4: {  	s25 =	simm.s32 $0x1B8E;
	s24 =	sld [smem:$0x3FFE];
	[sflag:s23] =	ssyncadd.s32 $0xFFFFFFFF  }
0xa5: {  	s26 =	simm.s32 $execute0_lowered;
	[smem:$0x3FD2] =	sst s25  }
0xa6: {  	s5 =	sshll.u32 s26, $0x1;
	_ =	strace $0x80000046;
	[dreg:$0x1] =	wrdreg $0xFFFFFFFF  }
0xa7: {  	s28 =	simm.s32 $_size_execute0_lowered;
	s3 =	sadd.s32 s3, s5;
	[dreg:$0x0] =	wrdreg $0x0  }
0xa8: {  	s5 =	sshll.u32 s28, $0x1;
	[dreg:$0x2] =	wrdreg s3  }
0xa9: {  	[dreg:$0x3] =	wrdreg s5  }
0xaa: {  	[dreg:$0x4] =	wrdreg $0xC0  }
0xab: {  	_ =	task [dreg:s7], $0x5FFFF  }
0xac: {  	[dreg:$0x1] =	wrdreg $0xFFFFFFFF  }
0xad: {  	[dreg:$0x0] =	wrdreg $0x60  }
0xae: {  	[dreg:$0x2] =	wrdreg s24  }
0xaf: {  	[dreg:$0x3] =	wrdreg s2  }
0xb0: {  	[dreg:$0x4] =	wrdreg $0x9  }
0xb1: {  	_ =	task.clear_ibuf [dreg:s7], $0x5FFFF;
	_ =	strace $0x90000046  }
0xb2: {  	s29 =	simm.s32 $0x9;
	_ =	strace $0x80000048  }
0xb3: {  	_ =	swait.ge [sflag:s29], $0x1  }
0xb4: {  	[sflag:s29] =	ssyncadd.s32 $0xFFFFFFFF  }
0xb5: {  	_ =	strace $0x90000048  }
0xb6: {  	_ =	sfence  }
0xb7: {  	s30 =	sld [smem:$0x0];
	_ =	sdelay $0x2  }
0xb8: {  	s31 =	sshll.u32 s1, $0xD;
	s1 =	sshrl.u32 s1, $0x2  }
0xb9: {  	s3 =	sand.u32 $0x4000, s31;
	s1 =	sadd.s32 s1, s30  }
0xba: {  	s0 =	sor.u32 s3, s0;
	s1 =	sshll.u32 s1, $0x11  }
0xbb: {  	s0 =	sor.u32 s1, s0  }
0xbc: {  	s0 =	sadd.s32 $0x8F2B, s0  }
0xbd: {  	[sflag:s0] =	ssyncadd.remote.s32 $0x1  }
0xbe: {  	_ =	sfence.sel $0xFFFF  }
0xbf: {  	[dreg:$0x0] =	wrdreg $0xFFFFFFFF;
	(pc) =	sbr.abs _section_cstart, $3  }
0xc0: {  	[dreg:$0x1] =	wrdreg $0xFFFFFFFF  }
0xc1: {  	_ =	task.clear_ibuf [dreg:s7], $0x2FFFF;
	_ =	strace $0x9FFFFFFF  }
0xc2: {  	(tm) =	ssettm $0x7FFFFFFF  }
0xc3: {  	_ =	shalt  }
tec
execute0_lowered:
.L_overlay_start_1:
0x0: {  	(tag) =	ssettag $0x1  }
0x1: {  	s0 =	srdreg.scid  }
0x2: {  	s2 =	stileid.u32;
	s0 =	sand.u32 $0x1, s0  }
0x3: {  	s1 =	sor.u32 s0, s2  }
0x4: {  	p1 =	seq.s32 s0, $0x1;
	p0 =	seq.s32 s1, $0x0  }
0x5: {  	s5 =	rddreg [dreg:$0x0];
	s3 =	simm.s32 $0x0;
	p0 =	por !p0, !p1  }
0x6: {  	[smem:$0x7FF] =	sst s3;
	s1 =	simm.s32 $0x1;
	p0 =	por !p0, !p0  }
0x7: {  	s6 =	sshll.u32 s0, $0xD;
	s7 =	ssub.s32 $0x2, s0;
	s1 =	simm.s32 @!p0 $0x0  }
0x8: {  	s0 =	sshll.u32 s0, $0x15;
	s1 =	ssub.s32 s2, s1;
	s2 =	rddreg [dreg:$0x1]  }
0x9: {  	s15 =	simm.s32 $0x1C00;
	_ =	strace $0x80000047;
	[dreg:$0x3] =	wrdreg s0  }
0xa: {  	s16 =	simm.s32 $0x1800;
	[dreg:$0x4] =	wrdreg s15  }
0xb: {  	s19 =	simm.s32 $0x1400;
	[dreg:$0x5] =	wrdreg s16  }
0xc: {  	s20 =	simm.s32 $0x1000;
	[dreg:$0x6] =	wrdreg s19  }
0xd: {  	s21 =	simm.s32 $0xC00;
	[dreg:$0x7] =	wrdreg s20  }
0xe: {  	s22 =	simm.s32 $0x800;
	[dreg:$0x8] =	wrdreg s21  }
0xf: {  	s23 =	simm.s32 $0x400;
	[dreg:$0x9] =	wrdreg s22  }
0x10: {  	s24 =	simm.s32 $0x7800;
	s25 =	simm.s32 $0x7400;
	[dreg:$0xa] =	wrdreg s23  }
0x11: {  	s26 =	simm.s32 $0x7000;
	s28 =	simm.s32 $0x6C00;
	[dreg:$0xb] =	wrdreg s24  }
0x12: {  	s29 =	simm.s32 $0x6800;
	s30 =	simm.s32 $0x6400;
	[dreg:$0xc] =	wrdreg s25  }
0x13: {  	s31 =	simm.s32 $0x6000;
	s13 =	sshrl.u32 s7, $0x1;
	[dreg:$0xd] =	wrdreg s26  }
0x14: {  	s5 =	sadd.s32 $0x400, s5;
	s17 =	ssub.s32 s7, s13;
	[dreg:$0xe] =	wrdreg s28  }
0x15: {  	s17 =	smax.u32 s17, $0x1;
	[dreg:$0xf] =	wrdreg s29;
	s19 =	simm.s32 $0x3  }
0x16: {  	[dreg:$0x10] =	wrdreg s30;
	s20 =	simm.s32 $0x2;
	s4 =	smul.u32 $0x7C000, s1  }
0x17: {  	[dreg:$0x11] =	wrdreg s31;
	s21 =	simm.s32 $0x0;
	s9 =	sshll.u32 s1, $0x16  }
0x18: {  	s10 =	sor.u32 $0x40000, s9;
	s11 =	sor.u32 $0x80000, s9;
	s4 =	sor.u32 s4, s6  }
0x19: {  	s12 =	sor.u32 $0xC0000, s9;
	s13 =	sor.u32 $0x100000, s9;
	s4 =	sxor.u32 $0x2000, s4  }
0x1a: {  	s15 =	sor.u32 $0x180000, s9;
	s14 =	sshrl.u32 s4, $0x3;
	s8 =	sadd.s32 $0x7C00, s4  }
0x1b: {  	s16 =	sor.u32 $0x1C0000, s9;
	s7 =	sadd.s32 s5, s14;
	s8 =	sshrl.u32 s8, $0x3  }
0x1c: {  	s6 =	simm.s32 $0x1;
	[dreg:$0x12] =	wrdreg s7;
	s18 =	sadd.s32 s5, s8  }
0x1d: {  	s14 =	sor.u32 $0x140000, s9;
	[dreg:$0x13] =	wrdreg s18;
	s18 =	simm.s32 $0x5C00  }
.LBB2_1:
0x1e: {  	s0 =	rddreg [dreg:$0x12]  }
0x1f: {  	[tilespmem:s3], [sflag:$0x1] =	stream.linear.gather [hbm4b:s0+s3], $0x5C00, $0x38;
	[tilespmem:$0xB800] =	vst v63  }
0x20: {  	s8 =	rddreg [dreg:$0x13]  }
0x21: {  	[tilespmem:s18], [sflag:$0x2] =	stream.linear.gather [hbm4b:s8+s3], $0x5C00, $0x38;
	[tilespmem:$0xB800] =	vst v63  }
0x22: {  	_ =	swait.ge [sflag:s6], $0x5C00  }
0x23: {  	s22 =	rddreg [dreg:$0x3]  }
0x24: {  	s0 =	sor.u32 s3, s22  }
0x25: {  	s22 =	sor.u32 s9, s0  }
0x26: {  	s1 =	rddreg [dreg:$0x4];
	[sflag:s6] =	ssyncset.done $0x0;
	s22 =	sshrl.u32 s22, $0x3  }
0x27: {  	[sflag:s6] =	ssyncadd.s32 $0xFFFFA400;
	s24 =	sor.u32 s10, s0;
	s22 =	sadd.s32 s2, s22  }
0x28: {  	[hbm4b:s22+s3] =	stream.linear.scatter [tilespmem:s1], [sflag:$0x3], $0x4000, $0x38;
	[tilespmem:$0xB800] =	vst v63  }
0x29: {  	s22 =	sshrl.u32 s24, $0x3  }
0x2a: {  	s23 =	rddreg [dreg:$0x5];
	s26 =	sor.u32 s11, s0;
	s22 =	sadd.s32 s2, s22  }
0x2b: {  	[hbm4b:s22+s3] =	stream.linear.scatter [tilespmem:s23], [sflag:$0x3], $0x4000, $0x38;
	[tilespmem:$0xB800] =	vst v63  }
0x2c: {  	s25 =	rddreg [dreg:$0x6];
	s22 =	sshrl.u32 s26, $0x3  }
0x2d: {  	s28 =	rddreg [dreg:$0x7];
	s29 =	sor.u32 s12, s0;
	s22 =	sadd.s32 s2, s22  }
0x2e: {  	[hbm4b:s22+s3] =	stream.linear.scatter [tilespmem:s25], [sflag:$0x3], $0x4000, $0x38;
	[tilespmem:$0xB800] =	vst v63  }
0x2f: {  	s31 =	rddreg [dreg:$0x8];
	s30 =	sor.u32 s13, s0;
	s22 =	sshrl.u32 s29, $0x3  }
0x30: {  	s8 =	sor.u32 s14, s0;
	s1 =	sshrl.u32 s30, $0x3;
	s22 =	sadd.s32 s2, s22  }
0x31: {  	[hbm4b:s22+s3] =	stream.linear.scatter [tilespmem:s28], [sflag:$0x3], $0x4000, $0x38;
	[tilespmem:$0xB800] =	vst v63  }
0x32: {  	s1 =	sadd.s32 s2, s1;
	s23 =	sor.u32 s15, s0;
	s22 =	sshrl.u32 s8, $0x3  }
0x33: {  	[hbm4b:s1+s3] =	stream.linear.scatter [tilespmem:s31], [sflag:$0x3], $0x4000, $0x38;
	[tilespmem:$0xB800] =	vst v63  }
0x34: {  	s7 =	rddreg [dreg:$0x9];
	s22 =	sadd.s32 s2, s22;
	s1 =	sshrl.u32 s23, $0x3  }
0x35: {  	[hbm4b:s22+s3] =	stream.linear.scatter [tilespmem:s7], [sflag:$0x3], $0x4000, $0x38;
	[tilespmem:$0xB800] =	vst v63  }
0x36: {  	s24 =	rddreg [dreg:$0xa];
	s25 =	sor.u32 s16, s0;
	s1 =	sadd.s32 s2, s1  }
0x37: {  	[hbm4b:s1+s3] =	stream.linear.scatter [tilespmem:s24], [sflag:$0x3], $0x4000, $0x38;
	[tilespmem:$0xB800] =	vst v63  }
0x38: {  	s1 =	sshrl.u32 s25, $0x3  }
0x39: {  	s1 =	sadd.s32 s2, s1  }
0x3a: {  	[hbm4b:s1+s3] =	stream.linear.scatter [tilespmem:s3], [sflag:$0x3], $0x4000, $0x38;
	[tilespmem:$0xB800] =	vst v63  }
0x3b: {  	_ =	swait.ge [sflag:s19], $0x4000  }
0x3c: {  	[sflag:s19] =	ssyncset.done $0x0  }
0x3d: {  	[sflag:s19] =	ssyncadd.s32 $0xFFFFC000  }
0x3e: {  	_ =	swait.ge [sflag:s19], $0x4000  }
0x3f: {  	[sflag:s19] =	ssyncset.done $0x0  }
0x40: {  	[sflag:s19] =	ssyncadd.s32 $0xFFFFC000  }
0x41: {  	_ =	swait.ge [sflag:s19], $0x4000  }
0x42: {  	[sflag:s19] =	ssyncset.done $0x0  }
0x43: {  	[sflag:s19] =	ssyncadd.s32 $0xFFFFC000  }
0x44: {  	_ =	swait.ge [sflag:s19], $0x4000  }
0x45: {  	[sflag:s19] =	ssyncset.done $0x0  }
0x46: {  	[sflag:s19] =	ssyncadd.s32 $0xFFFFC000  }
0x47: {  	_ =	swait.ge [sflag:s19], $0x4000  }
0x48: {  	[sflag:s19] =	ssyncset.done $0x0  }
0x49: {  	[sflag:s19] =	ssyncadd.s32 $0xFFFFC000  }
0x4a: {  	_ =	swait.ge [sflag:s19], $0x4000  }
0x4b: {  	[sflag:s19] =	ssyncset.done $0x0  }
0x4c: {  	s26 =	simm.s32 $0x2;
	[sflag:s19] =	ssyncadd.s32 $0xFFFFC000  }
0x4d: {  	s1 =	sand.u32 $0xE, s26;
	_ =	swait.ge [sflag:s19], $0x4000  }
0x4e: {  	s1 =	smul.u32 $0x7C00, s1;
	[sflag:s19] =	ssyncset.done $0x0  }
0x4f: {  	[sflag:s19] =	ssyncadd.s32 $0xFFFFC000  }
0x50: {  	s1 =	sadd.s32 s1, s4;
	_ =	swait.ge [sflag:s19], $0x4000  }
0x51: {  	s1 =	sshrl.u32 s1, $0x3;
	[sflag:s19] =	ssyncset.done $0x0  }
0x52: {  	s0 =	sor.u32 $0x4000, s0;
	s1 =	sadd.s32 s5, s1;
	[sflag:s19] =	ssyncadd.s32 $0xFFFFC000  }
0x53: {  	[tilespmem:s3], [sflag:$0x1] =	stream.linear.gather [hbm4b:s1+s3], $0x5C00, $0x38;
	[tilespmem:$0xB800] =	vst v63  }
0x54: {  	s28 =	sor.u32 s9, s0;
	_ =	swait.ge [sflag:s20], $0x5C00  }
0x55: {  	s30 =	sor.u32 s10, s0;
	s1 =	sshrl.u32 s28, $0x3;
	[sflag:s20] =	ssyncset.done $0x0  }
0x56: {  	s1 =	sadd.s32 s2, s1;
	s29 =	rddreg [dreg:$0xb];
	[sflag:s20] =	ssyncadd.s32 $0xFFFFA400  }
0x57: {  	[hbm4b:s1+s3] =	stream.linear.scatter [tilespmem:s29], [sflag:$0x3], $0x4000, $0x38;
	[tilespmem:$0xB800] =	vst v63  }
0x58: {  	s1 =	sshrl.u32 s30, $0x3  }
0x59: {  	s7 =	sor.u32 s11, s0;
	s31 =	rddreg [dreg:$0xc];
	s1 =	sadd.s32 s2, s1  }
0x5a: {  	[hbm4b:s1+s3] =	stream.linear.scatter [tilespmem:s31], [sflag:$0x3], $0x4000, $0x38;
	[tilespmem:$0xB800] =	vst v63  }
0x5b: {  	s1 =	sshrl.u32 s7, $0x3  }
0x5c: {  	s22 =	sor.u32 s12, s0;
	s8 =	rddreg [dreg:$0xd];
	s1 =	sadd.s32 s2, s1  }
0x5d: {  	[hbm4b:s1+s3] =	stream.linear.scatter [tilespmem:s8], [sflag:$0x3], $0x4000, $0x38;
	[tilespmem:$0xB800] =	vst v63  }
0x5e: {  	s1 =	sshrl.u32 s22, $0x3  }
0x5f: {  	s24 =	sor.u32 s13, s0;
	s23 =	rddreg [dreg:$0xe];
	s1 =	sadd.s32 s2, s1  }
0x60: {  	[hbm4b:s1+s3] =	stream.linear.scatter [tilespmem:s23], [sflag:$0x3], $0x4000, $0x38;
	[tilespmem:$0xB800] =	vst v63  }
0x61: {  	s1 =	sshrl.u32 s24, $0x3  }
0x62: {  	s26 =	sor.u32 s14, s0;
	s25 =	rddreg [dreg:$0xf];
	s1 =	sadd.s32 s2, s1  }
0x63: {  	[hbm4b:s1+s3] =	stream.linear.scatter [tilespmem:s25], [sflag:$0x3], $0x4000, $0x38;
	[tilespmem:$0xB800] =	vst v63  }
0x64: {  	s1 =	sshrl.u32 s26, $0x3  }
0x65: {  	s28 =	rddreg [dreg:$0x10];
	s29 =	sor.u32 s15, s0;
	s1 =	sadd.s32 s2, s1  }
0x66: {  	[hbm4b:s1+s3] =	stream.linear.scatter [tilespmem:s28], [sflag:$0x3], $0x4000, $0x38;
	[tilespmem:$0xB800] =	vst v63  }
0x67: {  	s0 =	sor.u32 s16, s0;
	s1 =	sshrl.u32 s29, $0x3  }
0x68: {  	s30 =	rddreg [dreg:$0x11];
	s0 =	sshrl.u32 s0, $0x3;
	s1 =	sadd.s32 s2, s1  }
0x69: {  	[hbm4b:s1+s3] =	stream.linear.scatter [tilespmem:s30], [sflag:$0x3], $0x4000, $0x38;
	[tilespmem:$0xB800] =	vst v63  }
0x6a: {  	s0 =	sadd.s32 s2, s0  }
0x6b: {  	[hbm4b:s0+s3] =	stream.linear.scatter [tilespmem:s18], [sflag:$0x3], $0x4000, $0x38;
	[tilespmem:$0xB800] =	vst v63  }
0x6c: {  	_ =	swait.ge [sflag:s19], $0x4000  }
0x6d: {  	[sflag:s19] =	ssyncset.done $0x0  }
0x6e: {  	[sflag:s19] =	ssyncadd.s32 $0xFFFFC000  }
0x6f: {  	s31 =	sand.u32 $0xF, s19;
	_ =	swait.ge [sflag:s19], $0x4000  }
0x70: {  	s0 =	smul.u32 $0x7C00, s31;
	[sflag:s19] =	ssyncset.done $0x0  }
0x71: {  	[sflag:s19] =	ssyncadd.s32 $0xFFFFC000  }
0x72: {  	s23 =	simm.s32 $0x8000;
	s0 =	sadd.s32 s0, s4;
	_ =	swait.ge [sflag:s19], $0x4000  }
0x73: {  	s24 =	simm.s32 $0x3;
	s22 =	sshrl.u32 s0, $0x3;
	[sflag:s19] =	ssyncset.done $0x0  }
.LBB2_2:
0x74: {  	[sflag:s19] =	ssyncadd.s32 $0xFFFFC000  }
0x75: {  	_ =	swait.ge [sflag:s19], $0x4000  }
0x76: {  	[sflag:s19] =	ssyncset.done $0x0  }
0x77: {  	[sflag:s19] =	ssyncadd.s32 $0xFFFFC000  }
0x78: {  	_ =	swait.ge [sflag:s19], $0x4000  }
0x79: {  	[sflag:s19] =	ssyncset.done $0x0  }
0x7a: {  	[sflag:s19] =	ssyncadd.s32 $0xFFFFC000  }
0x7b: {  	_ =	swait.ge [sflag:s19], $0x4000  }
0x7c: {  	[sflag:s19] =	ssyncset.done $0x0  }
0x7d: {  	[sflag:s19] =	ssyncadd.s32 $0xFFFFC000  }
0x7e: {  	_ =	swait.ge [sflag:s19], $0x4000  }
0x7f: {  	s24 =	sadd.s32 $0x2, s24;
	[sflag:s19] =	ssyncset.done $0x0  }
0x80: {  	s1 =	sand.u32 $0xF, s24;
	[sflag:s19] =	ssyncadd.s32 $0xFFFFC000  }
0x81: {  	s1 =	smul.u32 $0x7C00, s1;
	_ =	swait.ge [sflag:s19], $0x4000  }
0x82: {  	[sflag:s19] =	ssyncset.done $0x0  }
0x83: {  	s25 =	sadd.s32 s5, s22;
	s1 =	sadd.s32 s1, s4;
	[sflag:s19] =	ssyncadd.s32 $0xFFFFC000  }
0x84: {  	[tilespmem:s18], [sflag:$0x2] =	stream.linear.gather [hbm4b:s25+s3], $0x5C00, $0x38;
	[tilespmem:$0xB800] =	vst v63  }
0x85: {  	s1 =	sshrl.u32 s1, $0x3;
	_ =	swait.ge [sflag:s6], $0x5C00  }
0x86: {  	s22 =	smov.u32 s1;
	s1 =	rddreg [dreg:$0x7]  }
0x87: {  	s25 =	rddreg [dreg:$0x9]  }
0x88: {  	s26 =	rddreg [dreg:$0x3]  }
0x89: {  	s0 =	smov.u32 s23;
	s28 =	rddreg [dreg:$0x6]  }
0x8a: {  	s29 =	rddreg [dreg:$0x5];
	[sflag:s6] =	ssyncset.done $0x0;
	s0 =	sor.u32 s0, s26  }
0x8b: {  	s26 =	rddreg [dreg:$0x4];
	[sflag:s6] =	ssyncadd.s32 $0xFFFFA400;
	s30 =	sor.u32 s9, s0  }
0x8c: {  	s31 =	sor.u32 s10, s0;
	s7 =	sor.u32 s12, s0;
	s30 =	sshrl.u32 s30, $0x3  }
0x8d: {  	s8 =	sor.u32 s11, s0;
	s31 =	sshrl.u32 s31, $0x3;
	s30 =	sadd.s32 s2, s30  }
0x8e: {  	[hbm4b:s30+s3] =	stream.linear.scatter [tilespmem:s26], [sflag:$0x3], $0x4000, $0x38;
	[tilespmem:$0xB800] =	vst v63  }
0x8f: {  	s8 =	sshrl.u32 s8, $0x3;
	s7 =	sshrl.u32 s7, $0x3;
	s31 =	sadd.s32 s2, s31  }
0x90: {  	[hbm4b:s31+s3] =	stream.linear.scatter [tilespmem:s29], [sflag:$0x3], $0x4000, $0x38;
	[tilespmem:$0xB800] =	vst v63  }
0x91: {  	s8 =	sadd.s32 s2, s8;
	s7 =	sadd.s32 s2, s7;
	s30 =	sor.u32 s13, s0  }
0x92: {  	[hbm4b:s8+s3] =	stream.linear.scatter [tilespmem:s28], [sflag:$0x3], $0x4000, $0x38;
	[tilespmem:$0xB800] =	vst v63  }
0x93: {  	s26 =	sshrl.u32 s30, $0x3;
	s30 =	sor.u32 s14, s0;
	s31 =	sor.u32 s15, s0  }
0x94: {  	[hbm4b:s7+s3] =	stream.linear.scatter [tilespmem:s1], [sflag:$0x3], $0x4000, $0x38;
	[tilespmem:$0xB800] =	vst v63  }
0x95: {  	s8 =	rddreg [dreg:$0x8];
	s7 =	sadd.s32 s2, s26;
	s26 =	sshrl.u32 s30, $0x3  }
0x96: {  	[hbm4b:s7+s3] =	stream.linear.scatter [tilespmem:s8], [sflag:$0x3], $0x4000, $0x38;
	[tilespmem:$0xB800] =	vst v63  }
0x97: {  	s28 =	sshrl.u32 s31, $0x3;
	s31 =	sor.u32 s16, s0;
	s29 =	sadd.s32 s2, s26  }
0x98: {  	[hbm4b:s29+s3] =	stream.linear.scatter [tilespmem:s25], [sflag:$0x3], $0x4000, $0x38;
	[tilespmem:$0xB800] =	vst v63  }
0x99: {  	s28 =	sadd.s32 s2, s28;
	s30 =	rddreg [dreg:$0xa];
	s8 =	sshrl.u32 s31, $0x3  }
0x9a: {  	[hbm4b:s28+s3] =	stream.linear.scatter [tilespmem:s30], [sflag:$0x3], $0x4000, $0x38;
	[tilespmem:$0xB800] =	vst v63  }
0x9b: {  	s29 =	sadd.s32 s2, s8  }
0x9c: {  	[hbm4b:s29+s3] =	stream.linear.scatter [tilespmem:s3], [sflag:$0x3], $0x4000, $0x38;
	[tilespmem:$0xB800] =	vst v63  }
0x9d: {  	_ =	swait.ge [sflag:s19], $0x4000  }
0x9e: {  	[sflag:s19] =	ssyncset.done $0x0  }
0x9f: {  	[sflag:s19] =	ssyncadd.s32 $0xFFFFC000  }
0xa0: {  	_ =	swait.ge [sflag:s19], $0x4000  }
0xa1: {  	[sflag:s19] =	ssyncset.done $0x0  }
0xa2: {  	[sflag:s19] =	ssyncadd.s32 $0xFFFFC000  }
0xa3: {  	_ =	swait.ge [sflag:s19], $0x4000  }
0xa4: {  	[sflag:s19] =	ssyncset.done $0x0  }
0xa5: {  	[sflag:s19] =	ssyncadd.s32 $0xFFFFC000  }
0xa6: {  	_ =	swait.ge [sflag:s19], $0x4000  }
0xa7: {  	s25 =	sor.u32 $0x4000, s0;
	[sflag:s19] =	ssyncset.done $0x0  }
0xa8: {  	s31 =	sor.u32 s10, s25;
	s7 =	sor.u32 s11, s25;
	[sflag:s19] =	ssyncadd.s32 $0xFFFFC000  }
0xa9: {  	s8 =	sor.u32 s12, s25;
	s26 =	sor.u32 s13, s25;
	_ =	swait.ge [sflag:s19], $0x4000  }
0xaa: {  	s30 =	sor.u32 s9, s25;
	s28 =	sshrl.u32 s8, $0x3;
	[sflag:s19] =	ssyncset.done $0x0  }
0xab: {  	s8 =	sor.u32 s15, s25;
	s0 =	sshrl.u32 s30, $0x3;
	[sflag:s19] =	ssyncadd.s32 $0xFFFFC000  }
0xac: {  	s30 =	sshrl.u32 s31, $0x3;
	s29 =	sor.u32 s14, s25;
	_ =	swait.ge [sflag:s19], $0x4000  }
0xad: {  	s31 =	sshrl.u32 s26, $0x3;
	s26 =	sshrl.u32 s29, $0x3;
	[sflag:s19] =	ssyncset.done $0x0  }
0xae: {  	s29 =	sshrl.u32 s8, $0x3;
	s8 =	sadd.s32 $0xFFFFFFFF, s24;
	[sflag:s19] =	ssyncadd.s32 $0xFFFFC000  }
0xaf: {  	s1 =	sshrl.u32 s7, $0x3;
	s7 =	sand.u32 $0xE, s8;
	_ =	swait.ge [sflag:s19], $0x4000  }
0xb0: {  	s7 =	smul.u32 $0x7C00, s7;
	[sflag:s19] =	ssyncset.done $0x0  }
0xb1: {  	[sflag:s19] =	ssyncadd.s32 $0xFFFFC000  }
0xb2: {  	s7 =	sadd.s32 s7, s4;
	_ =	swait.ge [sflag:s19], $0x4000  }
0xb3: {  	s7 =	sshrl.u32 s7, $0x3;
	[sflag:s19] =	ssyncset.done $0x0  }
0xb4: {  	s7 =	sadd.s32 s5, s7;
	[sflag:s19] =	ssyncadd.s32 $0xFFFFC000  }
0xb5: {  	[tilespmem:s3], [sflag:$0x1] =	stream.linear.gather [hbm4b:s7+s3], $0x5C00, $0x38;
	[tilespmem:$0xB800] =	vst v63  }
0xb6: {  	_ =	swait.ge [sflag:s20], $0x5C00  }
0xb7: {  	[sflag:s20] =	ssyncset.done $0x0  }
0xb8: {  	s0 =	sadd.s32 s2, s0;
	s7 =	rddreg [dreg:$0xb];
	[sflag:s20] =	ssyncadd.s32 $0xFFFFA400  }
0xb9: {  	[hbm4b:s0+s3] =	stream.linear.scatter [tilespmem:s7], [sflag:$0x3], $0x4000, $0x38;
	[tilespmem:$0xB800] =	vst v63  }
0xba: {  	s8 =	rddreg [dreg:$0xc];
	s7 =	sadd.s32 s2, s30  }
0xbb: {  	[hbm4b:s7+s3] =	stream.linear.scatter [tilespmem:s8], [sflag:$0x3], $0x4000, $0x38;
	[tilespmem:$0xB800] =	vst v63  }
0xbc: {  	s1 =	sadd.s32 s2, s1;
	s30 =	rddreg [dreg:$0xd]  }
0xbd: {  	[hbm4b:s1+s3] =	stream.linear.scatter [tilespmem:s30], [sflag:$0x3], $0x4000, $0x38;
	[tilespmem:$0xB800] =	vst v63  }
0xbe: {  	s28 =	sadd.s32 s2, s28;
	s8 =	rddreg [dreg:$0xe]  }
0xbf: {  	[hbm4b:s28+s3] =	stream.linear.scatter [tilespmem:s8], [sflag:$0x3], $0x4000, $0x38;
	[tilespmem:$0xB800] =	vst v63  }
0xc0: {  	s30 =	rddreg [dreg:$0xf];
	s1 =	sadd.s32 s2, s31  }
0xc1: {  	[hbm4b:s1+s3] =	stream.linear.scatter [tilespmem:s30], [sflag:$0x3], $0x4000, $0x38;
	[tilespmem:$0xB800] =	vst v63  }
0xc2: {  	s25 =	sor.u32 s16, s25;
	s26 =	sadd.s32 s2, s26;
	s8 =	rddreg [dreg:$0x10]  }
0xc3: {  	[hbm4b:s26+s3] =	stream.linear.scatter [tilespmem:s8], [sflag:$0x3], $0x4000, $0x38;
	[tilespmem:$0xB800] =	vst v63  }
0xc4: {  	s25 =	sshrl.u32 s25, $0x3;
	s28 =	rddreg [dreg:$0x11];
	s30 =	sadd.s32 s2, s29  }
0xc5: {  	[hbm4b:s30+s3] =	stream.linear.scatter [tilespmem:s28], [sflag:$0x3], $0x4000, $0x38;
	[tilespmem:$0xB800] =	vst v63  }
0xc6: {  	s31 =	sadd.s32 s2, s25  }
0xc7: {  	[hbm4b:s31+s3] =	stream.linear.scatter [tilespmem:s18], [sflag:$0x3], $0x4000, $0x38;
	[tilespmem:$0xB800] =	vst v63  }
0xc8: {  	_ =	swait.ge [sflag:s19], $0x4000  }
0xc9: {  	[sflag:s19] =	ssyncset.done $0x0  }
0xca: {  	p0 =	sne.s32 s23, $0x38000;
	[sflag:s19] =	ssyncadd.s32 $0xFFFFC000  }
.Ltmp0:
0xcb: {  	_ =	swait.ge [sflag:s19], $0x4000;
	(pc) =	sbr.rel @p0 .LBB2_2-.Ltmp0, $4  }
0xcc: {  	[sflag:s19] =	ssyncset.done $0x0  }
0xcd: {  	[sflag:s19] =	ssyncadd.s32 $0xFFFFC000  }
0xce: {  	_ =	swait.ge [sflag:s19], $0x4000  }
0xcf: {  	s23 =	sadd.s32 $0x8000, s23;
	[sflag:s19] =	ssyncset.done $0x0  }
0xd0: {  	[sflag:s19] =	ssyncadd.s32 $0xFFFFC000  }
0xd1: {  	_ =	swait.ge [sflag:s19], $0x4000  }
0xd2: {  	[sflag:s19] =	ssyncset.done $0x0  }
0xd3: {  	[sflag:s19] =	ssyncadd.s32 $0xFFFFC000  }
0xd4: {  	_ =	swait.ge [sflag:s19], $0x4000  }
0xd5: {  	[sflag:s19] =	ssyncset.done $0x0  }
0xd6: {  	[sflag:s19] =	ssyncadd.s32 $0xFFFFC000  }
0xd7: {  	_ =	swait.ge [sflag:s19], $0x4000  }
0xd8: {  	[sflag:s19] =	ssyncset.done $0x0  }
0xd9: {  	[sflag:s19] =	ssyncadd.s32 $0xFFFFC000  }
0xda: {  	_ =	swait.ge [sflag:s19], $0x4000  }
0xdb: {  	[sflag:s19] =	ssyncset.done $0x0  }
0xdc: {  	[sflag:s19] =	ssyncadd.s32 $0xFFFFC000  }
0xdd: {  	_ =	swait.ge [sflag:s19], $0x4000  }
0xde: {  	[sflag:s19] =	ssyncset.done $0x0  }
0xdf: {  	s0 =	sadd.s32 s5, s22;
	s21 =	sadd.s32 $0x1, s21;
	[sflag:s19] =	ssyncadd.s32 $0xFFFFC000  }
0xe0: {  	[tilespmem:s18], [sflag:$0x2] =	stream.linear.gather [hbm4b:s0+s3], $0x5C00, $0x38;
	[tilespmem:$0xB800] =	vst v63  }
0xe1: {  	p0 =	sne.s32 s21, s17;
	_ =	swait.ge [sflag:s6], $0x5C00  }
.Ltmp1:
0xe2: {  	[sflag:s6] =	ssyncset.done $0x0;
	(pc) =	sbr.rel @p0 .LBB2_1-.Ltmp1, $4  }
0xe3: {  	[sflag:s6] =	ssyncadd.s32 $0xFFFFA400  }
0xe4: {  	_ =	swait.ge [sflag:s20], $0x5C00  }
0xe5: {  	[sflag:s20] =	ssyncset.done $0x0  }
0xe6: {  	[sflag:s20] =	ssyncadd.s32 $0xFFFFA400  }
0xe7: {  	_ =	sfence.sel $0x180000  }
0xe8: {  	[bflag:$0x0] =	sbarrier.arrive $0xFFFF  }
0xe9: {  	_ =	strace $0x90000047  }
0xea: {  	s0 =	stileid.u32;
	[bflag:$0x2] =	sbarrier.arrive $0xFFFF  }
0xeb: {  	p0 =	sne.s32 s0, $0x0;
	s0 =	rddreg [dreg:$0x2]  }
0xec: {  	s0 =	sadd.s32 @!p0 $0x100000, s0  }
0xed: {  	[sflag:s0] =	ssyncadd.tile.s32 @!p0 $0x1;
	_ =	shalt  }
.Lfunc_end2:
_tile_overlayer_lowered:
.L_overlay_start_2:
0xee: {  	(tag) =	ssettag $0x2  }
0xef: {  	s0 =	rddreg [dreg:$0x0];
	s2 =	stileid.u32  }
0xf0: {  	s1 =	rddreg [dreg:$0x1];
	p0 =	sne.s32 s2, $0x0  }
0xf1: {  	s3 =	rddreg [dreg:$0x2];
	[bflag:$0x3] =	sbarrier.arrive $0xFFFF;
	s2 =	simm.s32 @!p0 $0x1C04  }
0xf2: {  	[timem:s3], [sflag:s2] =	dma.local @!p0 [hbm:s0], s1  }
0xf3: {  	s0 =	simm.s32 @!p0 $0x4  }
0xf4: {  	_ =	swait.ge @!p0 [sflag:s0], s1  }
0xf5: {  	s1 =	ssub.s32 @!p0 $0x0, s1;
	[sflag:s0] =	ssyncset.done @!p0 $0x0  }
0xf6: {  	[sflag:s0] =	ssyncadd.s32 @!p0 s1  }
0xf7: {  	[bflag:$0x3] =	sbarrier.arrive $0xFFFF  }
0xf8: {  	_ =	shalt  }

</sc_bundles>
